<compile_context>
chip_gen: v7x
topology: tpu7x:2x2x1
jax: 0.10.2.dev20260603
libtpu: 0.0.44.dev20260713+nightly
codegen_flags: <defaults>
</compile_context>

<pallas_src>
import functools

import jax
import jax.numpy as jnp
from jax import lax
from jax.experimental import pallas as pl
from jax.experimental.pallas import tpu as pltpu
from jax.experimental.pallas import tpu_sc as plsc

T = 2048
H = 2048
NH = 16
DH = 128
E = 8
K = 2
DFF = 1024
EPS = 1e-6
P = T * K
BMG = 256
NW = P // BMG
NT = 24

BF16 = jnp.bfloat16
F32 = jnp.float32
I32 = jnp.int32



def _ln_qkv_body(x_ref, g_ref, w_ref, o_ref):
    x = x_ref[...]
    v = jnp.mean(x * x, axis=1, keepdims=True)
    xn = x * jax.lax.rsqrt(v + EPS) * g_ref[...]
    y = jax.lax.dot_general(xn, w_ref[...], (((1,), (0,)), ((), ())),
                            preferred_element_type=F32)
    o_ref[...] = y


def _ln_qkv(x, g, wqkv):
    BN = 512
    return pl.pallas_call(
        _ln_qkv_body,
        grid=(3 * H // BN,),
        in_specs=[
            pl.BlockSpec((T, H), lambda j: (0, 0)),
            pl.BlockSpec((1, H), lambda j: (0, 0)),
            pl.BlockSpec((H, BN), lambda j: (0, j)),
        ],
        out_specs=pl.BlockSpec((T, BN), lambda j: (0, j)),
        out_shape=jax.ShapeDtypeStruct((T, 3 * H), F32),
    )(x, g.reshape(1, H), wqkv)



def _flash_body(q_ref, k_ref, v_ref, o_ref, m_ref, l_ref, acc_ref, *, bq, bk):
    i = pl.program_id(1)
    j = pl.program_id(2)
    scale = 1.0 / (DH ** 0.5)

    @pl.when(j == 0)
    def _():
        m_ref[...] = jnp.full_like(m_ref, -1e30)
        l_ref[...] = jnp.zeros_like(l_ref)
        acc_ref[...] = jnp.zeros_like(acc_ref)

    @pl.when(j <= i)
    def _():
        q = q_ref[...]
        k = k_ref[...]
        s = jax.lax.dot_general(q, k, (((1,), (1,)), ((), ())),
                                preferred_element_type=F32) * scale
        row = i * bq + jax.lax.broadcasted_iota(jnp.int32, (bq, bk), 0)
        col = j * bk + jax.lax.broadcasted_iota(jnp.int32, (bq, bk), 1)
        s = jnp.where(col > row, -1e9, s)
        m_prev = m_ref[:, :1]
        m_cur = jnp.max(s, axis=1, keepdims=True)
        m_new = jnp.maximum(m_prev, m_cur)
        p = jnp.exp(s - m_new)
        corr = jnp.exp(m_prev - m_new)
        l_ref[:, :1] = l_ref[:, :1] * corr + jnp.sum(p, axis=1, keepdims=True)
        acc_ref[...] = acc_ref[...] * corr + jax.lax.dot_general(
            p, v_ref[...], (((1,), (0,)), ((), ())),
            preferred_element_type=F32)
        m_ref[:, :1] = m_new

    @pl.when(j == i)
    def _():
        o_ref[...] = acc_ref[...] / l_ref[:, :1]


def _flash(qkv):
    BQ = 1024
    BK = 1024
    body = functools.partial(_flash_body, bq=BQ, bk=BK)
    return pl.pallas_call(
        body,
        grid=(NH, T // BQ, T // BK),
        in_specs=[
            pl.BlockSpec((BQ, DH), lambda h, i, j: (i, h)),
            pl.BlockSpec((BK, DH), lambda h, i, j: (j, NH + h)),
            pl.BlockSpec((BK, DH), lambda h, i, j: (j, 2 * NH + h)),
        ],
        out_specs=pl.BlockSpec((BQ, DH), lambda h, i, j: (i, h)),
        out_shape=jax.ShapeDtypeStruct((T, H), F32),
        scratch_shapes=[
            pltpu.VMEM((BQ, 1), F32),
            pltpu.VMEM((BQ, 1), F32),
            pltpu.VMEM((BQ, DH), F32),
        ],
        compiler_params=pltpu.CompilerParams(
            dimension_semantics=("arbitrary", "arbitrary", "arbitrary")),
    )(qkv, qkv, qkv)



def _proj_ln2_body(o_ref, x_ref, wo_ref, g_ref, wr_ref,
                   h1_ref, x2n_ref, lg_ref):
    a = jax.lax.dot_general(o_ref[...], wo_ref[...], (((1,), (0,)), ((), ())),
                            preferred_element_type=F32)
    h1 = x_ref[...] + a
    h1_ref[...] = h1
    v = jnp.mean(h1 * h1, axis=1, keepdims=True)
    xn = h1 * jax.lax.rsqrt(v + EPS) * g_ref[...]
    x2n_ref[...] = xn.astype(BF16)
    lg_ref[...] = jax.lax.dot_general(xn, wr_ref[...], (((1,), (0,)), ((), ())),
                                      preferred_element_type=F32)


def _proj_ln2(o, x, wo, g2, wr):
    BM = 256
    return pl.pallas_call(
        _proj_ln2_body,
        grid=(T // BM,),
        in_specs=[
            pl.BlockSpec((BM, H), lambda i: (i, 0)),
            pl.BlockSpec((BM, H), lambda i: (i, 0)),
            pl.BlockSpec((H, H), lambda i: (0, 0)),
            pl.BlockSpec((1, H), lambda i: (0, 0)),
            pl.BlockSpec((H, E), lambda i: (0, 0)),
        ],
        out_specs=[
            pl.BlockSpec((BM, H), lambda i: (i, 0)),
            pl.BlockSpec((BM, H), lambda i: (i, 0)),
            pl.BlockSpec((BM, E), lambda i: (i, 0)),
        ],
        out_shape=[
            jax.ShapeDtypeStruct((T, H), F32),
            jax.ShapeDtypeStruct((T, H), BF16),
            jax.ShapeDtypeStruct((T, E), F32),
        ],
    )(o, x, wo, g2.reshape(1, H), wr)



def _route_plan_body(lg_ref, p0_ref, p1_ref, w0_ref, w1_ref, tiles_ref,
                     c_ref, s1_ref, s2_ref):
    l = lg_ref[...]
    col = jax.lax.broadcasted_iota(I32, (T, E), 1)
    m1 = jnp.max(l, axis=1, keepdims=True)
    a1 = jnp.min(jnp.where(l == m1, col, E), axis=1, keepdims=True)
    sel1 = col == a1
    l2 = jnp.where(sel1, -1e30, l)
    m2 = jnp.max(l2, axis=1, keepdims=True)
    a2 = jnp.min(jnp.where(l2 == m2, col, E), axis=1, keepdims=True)
    sel2 = col == a2
    w0_ref[...] = jax.nn.sigmoid(m1 - m2)
    w1_ref[...] = jax.nn.sigmoid(m2 - m1)

    C = jnp.where(sel1, 1.0, 0.0) + jnp.where(sel2, 1.0, 0.0)
    c_ref[...] = C
    s1_ref[...] = jnp.where(sel1, 1.0, 0.0)
    s2_ref[...] = jnp.where(sel2, 1.0, 0.0)
    tot = jnp.sum(C, axis=0, keepdims=True)
    er = jax.lax.broadcasted_iota(I32, (E, E), 0)
    ec = jax.lax.broadcasted_iota(I32, (E, E), 1)
    u_exc = jnp.where(er < ec, 1.0, 0.0)
    start = jax.lax.dot_general(tot, u_exc, (((1,), (0,)), ((), ())),
                                preferred_element_type=F32,
                                precision=jax.lax.Precision.HIGHEST)

    CH = 256
    rr = jax.lax.broadcasted_iota(I32, (CH, CH), 0)
    cc = jax.lax.broadcasted_iota(I32, (CH, CH), 1)
    l_strict = jnp.where(cc < rr, 1.0, 0.0)

    def chunk(c, carry):
        cC = c_ref[pl.ds(c * CH, CH), :]
        s1 = s1_ref[pl.ds(c * CH, CH), :]
        s2 = s2_ref[pl.ds(c * CH, CH), :]
        rex = jax.lax.dot_general(l_strict, cC, (((1,), (0,)), ((), ())),
                                  preferred_element_type=F32,
                                  precision=jax.lax.Precision.HIGHEST) + carry
        pos = rex + start
        p0_ref[pl.ds(c * CH, CH), :] = jnp.sum(
            pos * s1, axis=1, keepdims=True).astype(I32)
        p1_ref[pl.ds(c * CH, CH), :] = jnp.sum(
            pos * s2, axis=1, keepdims=True).astype(I32)
        return carry + jnp.sum(cC, axis=0, keepdims=True)

    jax.lax.fori_loop(0, T // CH, chunk, jnp.zeros((1, E), F32))

    eye = jnp.where(er == ec, 1.0, 0.0)
    m_exc = jnp.where(ec < er, 1.0, 0.0)
    m_inc = jnp.where(ec <= er, 1.0, 0.0)
    tot_s = jax.lax.dot_general(eye, tot, (((1,), (1,)), ((), ())),
                                preferred_element_type=F32,
                                precision=jax.lax.Precision.HIGHEST)
    lo_s = jax.lax.dot_general(m_exc, tot_s, (((1,), (0,)), ((), ())),
                               preferred_element_type=F32,
                               precision=jax.lax.Precision.HIGHEST)
    tot_i = tot_s.astype(I32)
    lo_i = lo_s.astype(I32)
    hi_i = lo_i + tot_i
    w_lo = lo_i // BMG
    w_hi = (hi_i + (BMG - 1)) // BMG
    n_t = jnp.where(tot_i > 0, w_hi - w_lo, 0)
    n_f = n_t.astype(F32)
    o_exc = jax.lax.dot_general(m_exc, n_f, (((1,), (0,)), ((), ())),
                                preferred_element_type=F32,
                                precision=jax.lax.Precision.HIGHEST).astype(I32)
    cum_in = jax.lax.dot_general(m_inc, n_f, (((1,), (0,)), ((), ())),
                                 preferred_element_type=F32,
                                 precision=jax.lax.Precision.HIGHEST).astype(I32)

    tl = jax.lax.broadcasted_iota(I32, (1, 32), 1)
    e_t = jnp.sum(jnp.where(cum_in <= tl, 1, 0), axis=0, keepdims=True)
    onehot = jax.lax.broadcasted_iota(I32, (E, 32), 0) == e_t
    gat = lambda v: jnp.sum(jnp.where(onehot, v, 0), axis=0, keepdims=True)
    o_t = gat(o_exc)
    wlo_t = gat(w_lo)
    lo_t = gat(lo_i)
    hi_t = gat(hi_i)
    win_t = wlo_t + (tl - o_t)
    dummy = e_t >= E
    win_t = jnp.where(dummy, NW - 1, win_t)
    rlo_t = jnp.where(dummy, P, jnp.maximum(win_t * BMG, lo_t))
    rhi_t = jnp.where(dummy, P, jnp.minimum(win_t * BMG + BMG, hi_t))
    e_t = jnp.where(dummy, E - 1, e_t)
    first_t = jnp.where(rlo_t == win_t * BMG, 1, 0)
    zero = jnp.zeros((3, 32), I32)
    tiles_ref[...] = jnp.concatenate(
        [e_t, win_t, rlo_t, rhi_t, first_t, zero], axis=0)


def _route_plan(logits):
    return pl.pallas_call(
        _route_plan_body,
        out_shape=[
            jax.ShapeDtypeStruct((T, 1), I32),
            jax.ShapeDtypeStruct((T, 1), I32),
            jax.ShapeDtypeStruct((T, 1), F32),
            jax.ShapeDtypeStruct((T, 1), F32),
            jax.ShapeDtypeStruct((8, 32), I32),
        ],
        scratch_shapes=[
            pltpu.VMEM((T, E), F32),
            pltpu.VMEM((T, E), F32),
            pltpu.VMEM((T, E), F32),
        ],
    )(logits)



def _sc_dispatch(x2n_i32, p0, p1):
    mesh = plsc.VectorSubcoreMesh(core_axis_name="c", subcore_axis_name="s")
    tok_w = T // 32

    @functools.partial(
        pl.kernel, mesh=mesh,
        out_type=jax.ShapeDtypeStruct((P, H // 2), I32),
        scratch_types=[
            pltpu.VMEM((tok_w,), I32),
            pltpu.VMEM((tok_w,), I32),
            pltpu.VMEM((tok_w, H // 2), I32),
            pltpu.SemaphoreType.DMA,
        ],
    )
    def k(x_hbm, p0_hbm, p1_hbm, out_hbm, i0_v, i1_v, rows_v, sem):
        wid = lax.axis_index("s") * 2 + lax.axis_index("c")
        base = wid * tok_w
        pltpu.sync_copy(p0_hbm.at[pl.ds(base, tok_w)], i0_v)
        pltpu.sync_copy(p1_hbm.at[pl.ds(base, tok_w)], i1_v)
        pltpu.sync_copy(x_hbm.at[pl.ds(base, tok_w)], rows_v)
        pltpu.async_copy(rows_v, out_hbm.at[i0_v], sem).wait()
        pltpu.async_copy(rows_v, out_hbm.at[i1_v], sem).wait()

    return k(x2n_i32, p0, p1)



def _grouped_body(e_ref, w_ref, lo_ref, hi_ref, fr_ref,
                  xs_ref, w1_ref, w2_ref, out_ref):
    t = pl.program_id(0)
    lo = lo_ref[t]
    hi = hi_ref[t]
    fr = fr_ref[t]
    wn = w_ref[t]
    x = xs_ref[...]
    gu = jax.lax.dot_general(x, w1_ref[0], (((1,), (1,)), ((), ())),
                             preferred_element_type=F32)
    g = gu[:, :DFF]
    u = gu[:, DFF:]
    act = (g * jax.nn.sigmoid(g) * u).astype(BF16)
    dn = jax.lax.dot_general(act, w2_ref[0], (((1,), (1,)), ((), ())),
                             preferred_element_type=F32).astype(BF16)
    rows = wn * BMG + jax.lax.broadcasted_iota(I32, (BMG, 1), 0)
    valid = (rows >= lo) & (rows < hi)

    @pl.when(fr == 1)
    def _():
        out_ref[...] = jnp.where(valid, dn, jnp.zeros_like(dn))

    @pl.when(fr == 0)
    def _():
        out_ref[...] = jnp.where(valid, dn, out_ref[...])


def _grouped(xs, w1b, w2b, e_arr, w_arr, lo_arr, hi_arr, fr_arr):
    grid_spec = pltpu.PrefetchScalarGridSpec(
        num_scalar_prefetch=5,
        grid=(NT,),
        in_specs=[
            pl.BlockSpec((BMG, H), lambda t, e, w, lo, hi, fr: (w[t], 0)),
            pl.BlockSpec((1, 2 * DFF, H),
                         lambda t, e, w, lo, hi, fr: (e[t], 0, 0)),
            pl.BlockSpec((1, H, DFF),
                         lambda t, e, w, lo, hi, fr: (e[t], 0, 0)),
        ],
        out_specs=pl.BlockSpec((BMG, H), lambda t, e, w, lo, hi, fr: (w[t], 0)),
    )
    return pl.pallas_call(
        _grouped_body,
        grid_spec=grid_spec,
        out_shape=jax.ShapeDtypeStruct((P, H), BF16),
        compiler_params=pltpu.CompilerParams(
            dimension_semantics=("arbitrary",)),
    )(e_arr, w_arr, lo_arr, hi_arr, fr_arr, xs, w1b, w2b)



def _combine_body(h1_ref, ys_ref, p0_ref, p1_ref, w0_ref, w1_ref, o_ref,
                  *, bm):
    s_iota = jax.lax.broadcasted_iota(I32, (bm, P), 1)
    g = jnp.where(s_iota == p0_ref[...], w0_ref[...], 0.0)
    g = g + jnp.where(s_iota == p1_ref[...], w1_ref[...], 0.0)
    acc = jax.lax.dot_general(g.astype(BF16), ys_ref[...],
                              (((1,), (0,)), ((), ())),
                              preferred_element_type=F32)
    o_ref[...] = h1_ref[...] + acc


def _combine(h1, ys, p0c, p1c, w0c, w1c):
    BM = 256
    body = functools.partial(_combine_body, bm=BM)
    return pl.pallas_call(
        body,
        grid=(T // BM,),
        in_specs=[
            pl.BlockSpec((BM, H), lambda i: (i, 0)),
            pl.BlockSpec((P, H), lambda i: (0, 0)),
            pl.BlockSpec((BM, 1), lambda i: (i, 0)),
            pl.BlockSpec((BM, 1), lambda i: (i, 0)),
            pl.BlockSpec((BM, 1), lambda i: (i, 0)),
            pl.BlockSpec((BM, 1), lambda i: (i, 0)),
        ],
        out_specs=pl.BlockSpec((BM, H), lambda i: (i, 0)),
        out_shape=jax.ShapeDtypeStruct((T, H), F32),
    )(h1, ys, p0c, p1c, w0c, w1c)



def _bf16_to_i32(x):
    return jax.lax.bitcast_convert_type(
        x.reshape(x.shape[0], x.shape[1] // 2, 2), I32)


def _i32_to_bf16(x):
    return jax.lax.bitcast_convert_type(x, BF16).reshape(
        x.shape[0], x.shape[1] * 2)


def kernel(hidden_states, ln1_g, ln2_g, wq, wk, wv, wo, w_router, w1, w2):
    wqkv = jnp.concatenate([wq, wk, wv], axis=1)
    qkv = _ln_qkv(hidden_states, ln1_g, wqkv)
    o = _flash(qkv)
    h1, x2n, logits = _proj_ln2(o, hidden_states, wo, ln2_g, w_router)
    p0c, p1c, w0c, w1c, tiles = _route_plan(logits)
    p0 = p0c.reshape(T)
    p1 = p1c.reshape(T)
    xs_i32 = _sc_dispatch(_bf16_to_i32(x2n), p0, p1)
    xs = _i32_to_bf16(xs_i32)
    ys = _grouped(xs, w1.astype(BF16), w2.astype(BF16),
                  tiles[0, :NT], tiles[1, :NT], tiles[2, :NT],
                  tiles[3, :NT], tiles[4, :NT])
    out = _combine(h1, ys, p0c, p1c, w0c, w1c)
    return out

# --- scband reference (transcript-rebuilt; emitter-appended) ---
"""Pipeline reference for scband-generic-moe-decoder-layer-20358144983696 (READ-ONLY COPY).

The authoritative reference and input builder live on the scoring server;
editing this copy changes nothing except your own understanding.
"""

import jax, jax.numpy as jnp
import numpy as np

T = 2048   # num tokens (batch=1 * seq_len=2048)
H = 2048   # hidden_size
NH = 16    # num heads
DH = 128   # head dim
E = 8      # num experts
K = 2      # top_k
DFF = 1024 # moe_inter_padding_size
EPS = 1e-6


def setup_inputs(seed: int = 0) -> dict:
    key = jax.random.key(seed)
    ks = jax.random.split(key, 10)
    s = 0.02
    return {
        'hidden_states': jax.random.normal(ks[0], (T, H), dtype=jnp.float32),
        'ln1_g': jnp.ones((H,), jnp.float32),
        'ln2_g': jnp.ones((H,), jnp.float32),
        'wq': jax.random.normal(ks[1], (H, H), dtype=jnp.float32) * s,
        'wk': jax.random.normal(ks[2], (H, H), dtype=jnp.float32) * s,
        'wv': jax.random.normal(ks[3], (H, H), dtype=jnp.float32) * s,
        'wo': jax.random.normal(ks[4], (H, H), dtype=jnp.float32) * s,
        'w_router': jax.random.normal(ks[5], (H, E), dtype=jnp.float32) * s,
        'w1': jax.random.normal(ks[6], (E, 2 * DFF, H), dtype=jnp.float32) * s,
        'w2': jax.random.normal(ks[7], (E, H, DFF), dtype=jnp.float32) * s,
    }


def _rmsnorm(x, g):
    v = jnp.mean(jnp.square(x.astype(jnp.float32)), axis=-1, keepdims=True)
    return (x * jax.lax.rsqrt(v + EPS)) * g


def _attn(x, wq, wk, wv, wo):
    q = (x @ wq).reshape(T, NH, DH)
    k = (x @ wk).reshape(T, NH, DH)
    v = (x @ wv).reshape(T, NH, DH)
    scores = jnp.einsum('thd,shd->hts', q, k) / np.sqrt(DH)
    mask = jnp.tril(jnp.ones((T, T), dtype=bool))
    scores = jnp.where(mask[None, :, :], scores, jnp.float32(-1e9))
    p = jax.nn.softmax(scores, axis=-1)
    o = jnp.einsum('hts,shd->thd', p, v).reshape(T, H)
    return o @ wo


def _moe(x, w_router, w1, w2):
    # router (gate) + SelectTopkOp: softmax -> top_k -> renormalize
    router_logits = (x @ w_router).astype(jnp.float32)
    probs = jax.nn.softmax(router_logits, axis=-1)
    topk_weights, topk_ids = jax.lax.top_k(probs, K)
    topk_weights = topk_weights / jnp.sum(topk_weights, axis=-1, keepdims=True)
    # scatter topk weights into dense [T, E] combine matrix
    full = jnp.zeros((x.shape[0], E), jnp.float32)
    full = full.at[jnp.arange(x.shape[0])[:, None], topk_ids].set(topk_weights)
    # fused_moe with SiGLU activation (dense-equivalent formulation)
    gate_up = jnp.einsum('td,efd->tef', x, w1)
    g = gate_up[:, :, :DFF]
    u = gate_up[:, :, DFF:]
    act = jax.nn.silu(g) * u
    down = jnp.einsum('tef,edf->ted', act, w2)
    return jnp.sum(full[:, :, None] * down, axis=1).astype(x.dtype)


def reference(hidden_states, ln1_g, ln2_g, wq, wk, wv, wo, w_router, w1, w2):
    residual = hidden_states
    h = _rmsnorm(hidden_states, ln1_g)
    h = _attn(h, wq, wk, wv, wo)
    h = residual + h
    residual = h
    h = _rmsnorm(h, ln2_g)
    h = _moe(h, w_router, w1, w2)
    return residual + h

if __name__ == "__main__":
    import jax
    _d = setup_inputs()
    print(jax.jit(kernel)(*tuple(_d.values())))

</pallas_src>

<mosaic_0001>
#map = affine_map<(d0, d1) -> (0, 0)>
#map1 = affine_map<(d0, d1) -> (0)>
module attributes {stable_mosaic.version = 14 : i64} {
  func.func @k(%arg0: i32, %arg1: i32, %arg2: memref<2048x1024xi32, #tpu.memory_space<hbm>>, %arg3: memref<2048xi32, #tpu.memory_space<hbm>>, %arg4: memref<2048xi32, #tpu.memory_space<hbm>>, %arg5: memref<4096x1024xi32, #tpu.memory_space<hbm>>, %arg6: memref<64xi32, #tpu.memory_space<vmem>>, %arg7: memref<64xi32, #tpu.memory_space<vmem>>, %arg8: memref<64x1024xi32, #tpu.memory_space<vmem>>, %arg9: memref<!tpu.dma_semaphore, #tpu.memory_space<semaphore_mem>>) attributes {dimension_semantics = [#tpu.dimension_semantics<core_parallel>, #tpu.dimension_semantics<subcore_parallel>], iteration_bounds = array<i64: 2, 16>, scalar_prefetch = 0 : i64, scratch_operands = 4 : i64, tpu.core_type = #tpu.core_type<sc_vector_subcore>, window_params = [{transform_indices = #map}, {transform_indices = #map1}, {transform_indices = #map1}, {transform_indices = #map}]} {
    %mul3A = arith.constant 2 : i32
    %mul3A_0 = arith.muli %arg1, %mul3A : i32
    %add3A = arith.addi %mul3A_0, %arg0 : i32
    %mul3A_1 = arith.constant 64 : i32
    %mul3A_2 = arith.muli %add3A, %mul3A_1 : i32
    "tpu.region"() ({
      %run_scoped3A = tpu.sem_alloc : memref<!tpu.dma_semaphore, #tpu.memory_space<semaphore_mem>>
      %dma_start3A_13 = tpu.memref_slice %arg3[%mul3A_2] : memref<2048xi32, #tpu.memory_space<hbm>> -> memref<64xi32, #tpu.memory_space<hbm>>
      %dma_start3A_14 = tpu.memref_slice %arg3[%mul3A_2] : memref<2048xi32, #tpu.memory_space<hbm>> -> memref<64xi32, #tpu.memory_space<hbm>>
      tpu.enqueue_dma source(%dma_start3A_14 : memref<64xi32, #tpu.memory_space<hbm>>) target(%arg6 : memref<64xi32, #tpu.memory_space<vmem>>) target_semaphore(%run_scoped3A : memref<!tpu.dma_semaphore, #tpu.memory_space<semaphore_mem>>)
      %dma_wait3A_15 = tpu.memref_slice %arg3[%mul3A_2] : memref<2048xi32, #tpu.memory_space<hbm>> -> memref<64xi32, #tpu.memory_space<hbm>>
      %dma_wait3A_16 = tpu.memref_slice %arg3[%mul3A_2] : memref<2048xi32, #tpu.memory_space<hbm>> -> memref<64xi32, #tpu.memory_space<hbm>>
      tpu.wait_dma2 semaphore(%run_scoped3A : memref<!tpu.dma_semaphore, #tpu.memory_space<semaphore_mem>>) src(%dma_wait3A_16 : memref<64xi32, #tpu.memory_space<hbm>>) dst(%arg6 : memref<64xi32, #tpu.memory_space<vmem>>)
      tpu.yield
    }) : () -> ()
    "tpu.region"() ({
      %run_scoped3A = tpu.sem_alloc : memref<!tpu.dma_semaphore, #tpu.memory_space<semaphore_mem>>
      %dma_start3A_13 = tpu.memref_slice %arg4[%mul3A_2] : memref<2048xi32, #tpu.memory_space<hbm>> -> memref<64xi32, #tpu.memory_space<hbm>>
      %dma_start3A_14 = tpu.memref_slice %arg4[%mul3A_2] : memref<2048xi32, #tpu.memory_space<hbm>> -> memref<64xi32, #tpu.memory_space<hbm>>
      tpu.enqueue_dma source(%dma_start3A_14 : memref<64xi32, #tpu.memory_space<hbm>>) target(%arg7 : memref<64xi32, #tpu.memory_space<vmem>>) target_semaphore(%run_scoped3A : memref<!tpu.dma_semaphore, #tpu.memory_space<semaphore_mem>>)
      %dma_wait3A_15 = tpu.memref_slice %arg4[%mul3A_2] : memref<2048xi32, #tpu.memory_space<hbm>> -> memref<64xi32, #tpu.memory_space<hbm>>
      %dma_wait3A_16 = tpu.memref_slice %arg4[%mul3A_2] : memref<2048xi32, #tpu.memory_space<hbm>> -> memref<64xi32, #tpu.memory_space<hbm>>
      tpu.wait_dma2 semaphore(%run_scoped3A : memref<!tpu.dma_semaphore, #tpu.memory_space<semaphore_mem>>) src(%dma_wait3A_16 : memref<64xi32, #tpu.memory_space<hbm>>) dst(%arg7 : memref<64xi32, #tpu.memory_space<vmem>>)
      tpu.yield
    }) : () -> ()
    "tpu.region"() ({
      %run_scoped3A = tpu.sem_alloc : memref<!tpu.dma_semaphore, #tpu.memory_space<semaphore_mem>>
      %dma_start3A_13 = arith.constant 0 : i32
      %dma_start3A_14 = tpu.memref_slice %arg2[%mul3A_2, %dma_start3A_13] : memref<2048x1024xi32, #tpu.memory_space<hbm>> -> memref<64x1024xi32, #tpu.memory_space<hbm>>
      %dma_start3A_15 = arith.constant 0 : i32
      %dma_start3A_16 = tpu.memref_slice %arg2[%mul3A_2, %dma_start3A_15] : memref<2048x1024xi32, #tpu.memory_space<hbm>> -> memref<64x1024xi32, #tpu.memory_space<hbm>>
      tpu.enqueue_dma source(%dma_start3A_16 : memref<64x1024xi32, #tpu.memory_space<hbm>>) target(%arg8 : memref<64x1024xi32, #tpu.memory_space<vmem>>) target_semaphore(%run_scoped3A : memref<!tpu.dma_semaphore, #tpu.memory_space<semaphore_mem>>)
      %dma_wait3A_17 = arith.constant 0 : i32
      %dma_wait3A_18 = tpu.memref_slice %arg2[%mul3A_2, %dma_wait3A_17] : memref<2048x1024xi32, #tpu.memory_space<hbm>> -> memref<64x1024xi32, #tpu.memory_space<hbm>>
      %dma_wait3A_19 = arith.constant 0 : i32
      %dma_wait3A_20 = tpu.memref_slice %arg2[%mul3A_2, %dma_wait3A_19] : memref<2048x1024xi32, #tpu.memory_space<hbm>> -> memref<64x1024xi32, #tpu.memory_space<hbm>>
      tpu.wait_dma2 semaphore(%run_scoped3A : memref<!tpu.dma_semaphore, #tpu.memory_space<semaphore_mem>>) src(%dma_wait3A_20 : memref<64x1024xi32, #tpu.memory_space<hbm>>) dst(%arg8 : memref<64x1024xi32, #tpu.memory_space<vmem>>)
      tpu.yield
    }) : () -> ()
    %dma_start3A = arith.constant 0 : i32
    %dma_start3A_3 = arith.constant 0 : i32
    %dma_start3A_4 = tpu.memref_slice %arg5[%dma_start3A, %dma_start3A_3] : memref<4096x1024xi32, #tpu.memory_space<hbm>> -> memref<4096x1024xi32, #tpu.memory_space<hbm>>
    tpu.enqueue_indirect_dma source(%arg8 : memref<64x1024xi32, #tpu.memory_space<vmem>>) target(%dma_start3A_4 : memref<4096x1024xi32, #tpu.memory_space<hbm>>) offsets(%arg6 : memref<64xi32, #tpu.memory_space<vmem>>) semaphore(%arg9 : memref<!tpu.dma_semaphore, #tpu.memory_space<semaphore_mem>>)
    %dma_wait3A = arith.constant 0 : i32
    %dma_wait3A_5 = arith.constant 0 : i32
    %dma_wait3A_6 = tpu.memref_slice %arg5[%dma_wait3A, %dma_wait3A_5] : memref<4096x1024xi32, #tpu.memory_space<hbm>> -> memref<4096x1024xi32, #tpu.memory_space<hbm>>
    tpu.wait_indirect_dma semaphore(%arg9 : memref<!tpu.dma_semaphore, #tpu.memory_space<semaphore_mem>>) src(%arg8 : memref<64x1024xi32, #tpu.memory_space<vmem>>) dst(%dma_wait3A_6 : memref<4096x1024xi32, #tpu.memory_space<hbm>>)
    %dma_start3A_7 = arith.constant 0 : i32
    %dma_start3A_8 = arith.constant 0 : i32
    %dma_start3A_9 = tpu.memref_slice %arg5[%dma_start3A_7, %dma_start3A_8] : memref<4096x1024xi32, #tpu.memory_space<hbm>> -> memref<4096x1024xi32, #tpu.memory_space<hbm>>
    tpu.enqueue_indirect_dma source(%arg8 : memref<64x1024xi32, #tpu.memory_space<vmem>>) target(%dma_start3A_9 : memref<4096x1024xi32, #tpu.memory_space<hbm>>) offsets(%arg7 : memref<64xi32, #tpu.memory_space<vmem>>) semaphore(%arg9 : memref<!tpu.dma_semaphore, #tpu.memory_space<semaphore_mem>>)
    %dma_wait3A_10 = arith.constant 0 : i32
    %dma_wait3A_11 = arith.constant 0 : i32
    %dma_wait3A_12 = tpu.memref_slice %arg5[%dma_wait3A_10, %dma_wait3A_11] : memref<4096x1024xi32, #tpu.memory_space<hbm>> -> memref<4096x1024xi32, #tpu.memory_space<hbm>>
    tpu.wait_indirect_dma semaphore(%arg9 : memref<!tpu.dma_semaphore, #tpu.memory_space<semaphore_mem>>) src(%arg8 : memref<64x1024xi32, #tpu.memory_space<vmem>>) dst(%dma_wait3A_12 : memref<4096x1024xi32, #tpu.memory_space<hbm>>)
    return
  }
}

module attributes {stable_mosaic.version = 14 : i64} {
  func.func @_flash_body(%arg0: i32, %arg1: i32, %arg2: i32, %arg3: memref<1024x128xf32, #tpu.memory_space<vmem>>, %arg4: memref<1024x128xf32, #tpu.memory_space<vmem>>, %arg5: memref<1024x128xf32, #tpu.memory_space<vmem>>, %arg6: memref<1024x128xf32, #tpu.memory_space<vmem>>, %arg7: memref<1024x1xf32, #tpu.memory_space<vmem>>, %arg8: memref<1024x1xf32, #tpu.memory_space<vmem>>, %arg9: memref<1024x128xf32, #tpu.memory_space<vmem>>) attributes {dimension_semantics = [#tpu.dimension_semantics<arbitrary>, #tpu.dimension_semantics<arbitrary>, #tpu.dimension_semantics<arbitrary>], iteration_bounds = array<i64: 16, 2, 2>, scalar_prefetch = 0 : i64, scratch_operands = 3 : i64, tpu.core_type = #tpu.core_type<tc>, window_params = [{transform_indices = @transform_0, window_bounds = array<i64: 1024, 128>}, {transform_indices = @transform_1, window_bounds = array<i64: 1024, 128>}, {transform_indices = @transform_2, window_bounds = array<i64: 1024, 128>}, {transform_indices = @transform_3, window_bounds = array<i64: 1024, 128>}]} {
    %eq3A = arith.constant 0 : i32
    %eq3A_0 = arith.cmpi eq, %arg2, %eq3A : i32
    %convert_element_type3A = arith.extui %eq3A_0 : i1 to i32
    %cond3A = arith.constant 0 : i32
    %cond3A_1 = arith.cmpi ne, %convert_element_type3A, %cond3A : i32
    scf.if %cond3A_1 {
      %broadcast_in_dim3A = arith.constant -1.000000e+30 : f32
      %broadcast_in_dim3A_9 = vector.broadcast %broadcast_in_dim3A : f32 to vector<1024x1xf32>
      %swap3A = arith.constant 0 : index
      %swap3A_10 = arith.constant 0 : index
      %swap3A_11 = vector.load %arg7[%swap3A, %swap3A_10] : memref<1024x1xf32, #tpu.memory_space<vmem>>, vector<1024x1xf32>
      tpu.vector_store %arg7[%swap3A, %swap3A_10], %broadcast_in_dim3A_9 {strides = array<i32>} : memref<1024x1xf32, #tpu.memory_space<vmem>>, vector<1024x1xf32>,
      %broadcast_in_dim3A_12 = arith.constant 0.000000e+00 : f32
      %broadcast_in_dim3A_13 = vector.broadcast %broadcast_in_dim3A_12 : f32 to vector<1024x1xf32>
      %swap3A_14 = arith.constant 0 : index
      %swap3A_15 = arith.constant 0 : index
      %swap3A_16 = vector.load %arg8[%swap3A_14, %swap3A_15] : memref<1024x1xf32, #tpu.memory_space<vmem>>, vector<1024x1xf32>
      tpu.vector_store %arg8[%swap3A_14, %swap3A_15], %broadcast_in_dim3A_13 {strides = array<i32>} : memref<1024x1xf32, #tpu.memory_space<vmem>>, vector<1024x1xf32>,
      %broadcast_in_dim3A_17 = arith.constant 0.000000e+00 : f32
      %broadcast_in_dim3A_18 = vector.broadcast %broadcast_in_dim3A_17 : f32 to vector<1024x128xf32>
      %swap3A_19 = arith.constant 0 : index
      %swap3A_20 = arith.constant 0 : index
      %swap3A_21 = vector.load %arg9[%swap3A_19, %swap3A_20] : memref<1024x128xf32, #tpu.memory_space<vmem>>, vector<1024x128xf32>
      tpu.vector_store %arg9[%swap3A_19, %swap3A_20], %broadcast_in_dim3A_18 {strides = array<i32>} : memref<1024x128xf32, #tpu.memory_space<vmem>>, vector<1024x128xf32>,
    } else {
    }
    %le3A = arith.cmpi sle, %arg2, %arg1 : i32
    %convert_element_type3A_2 = arith.extui %le3A : i1 to i32
    %cond3A_3 = arith.constant 0 : i32
    %cond3A_4 = arith.cmpi ne, %convert_element_type3A_2, %cond3A_3 : i32
    scf.if %cond3A_4 {
      %get3A = arith.constant 0 : index
      %get3A_9 = arith.constant 0 : index
      %get3A_10 = vector.load %arg3[%get3A, %get3A_9] : memref<1024x128xf32, #tpu.memory_space<vmem>>, vector<1024x128xf32>
      %get3A_11 = arith.constant 0 : index
      %get3A_12 = arith.constant 0 : index
      %get3A_13 = vector.load %arg4[%get3A_11, %get3A_12] : memref<1024x128xf32, #tpu.memory_space<vmem>>, vector<1024x128xf32>
      %dot_general3A = arith.constant dense<0.000000e+00> : vector<1024x1024xf32>
      %dot_general3A_14 = tpu.matmul %get3A_10, %get3A_13, %dot_general3A {dimension_numbers = #tpu.dot_dimension_numbers<[1], [1], [0], [0], [0, 0, 1, 0], [], []>, transpose_lhs_hint = false} : vector<1024x128xf32>, vector<1024x128xf32>, vector<1024x1024xf32> -> vector<1024x1024xf32>
      %mul3A = arith.constant 0.0883883461 : f32
      %mul3A_15 = vector.broadcast %mul3A : f32 to vector<1024x1024xf32>
      %mul3A_16 = arith.mulf %dot_general3A_14, %mul3A_15 : vector<1024x1024xf32>
      %mul3A_17 = arith.constant 1024 : i32
      %mul3A_18 = arith.muli %arg1, %mul3A_17 : i32
      %iota3A = tpu.iota {dimensions = array<i32: 0>} : vector<1024x1024xi32>
      %add3A = vector.broadcast %mul3A_18 : i32 to vector<1024x1024xi32>
      %add3A_19 = arith.addi %add3A, %iota3A : vector<1024x1024xi32>
      %mul3A_20 = arith.constant 1024 : i32
      %mul3A_21 = arith.muli %arg2, %mul3A_20 : i32
      %iota3A_22 = tpu.iota {dimensions = array<i32: 1>} : vector<1024x1024xi32>
      %add3A_23 = vector.broadcast %mul3A_21 : i32 to vector<1024x1024xi32>
      %add3A_24 = arith.addi %add3A_23, %iota3A_22 : vector<1024x1024xi32>
      %gt3A = arith.cmpi sgt, %add3A_24, %add3A_19 : vector<1024x1024xi32>
      %jit3A = arith.constant -1.000000e+09 : f32
      %broadcast_in_dim3A = vector.broadcast %jit3A : f32 to vector<1024x1024xf32>
      %select_n3A = arith.select %gt3A, %broadcast_in_dim3A, %mul3A_16 : vector<1024x1024xi1>, vector<1024x1024xf32>
      %get3A_25 = arith.constant 0 : index
      %get3A_26 = arith.constant 0 : index
      %get3A_27 = vector.load %arg7[%get3A_25, %get3A_26] : memref<1024x1xf32, #tpu.memory_space<vmem>>, vector<1024x1xf32>
      %reduce_max3A = arith.constant dense<0xFF800000> : vector<1024xf32>
      %reduce_max3A_28 = vector.multi_reduction <maximumf>, %select_n3A, %reduce_max3A [1] : vector<1024x1024xf32> to vector<1024xf32>
      %broadcast_in_dim3A_29 = vector.shape_cast %reduce_max3A_28 : vector<1024xf32> to vector<1024x1xf32>
      %max3A = arith.maximumf %get3A_27, %broadcast_in_dim3A_29 : vector<1024x1xf32>
      %sub3A = vector.broadcast %max3A : vector<1024x1xf32> to vector<1024x1024xf32>
      %sub3A_30 = arith.subf %select_n3A, %sub3A : vector<1024x1024xf32>
      %exp3A = math.exp %sub3A_30 : vector<1024x1024xf32>
      %sub3A_31 = arith.subf %get3A_27, %max3A : vector<1024x1xf32>
      %exp3A_32 = math.exp %sub3A_31 : vector<1024x1xf32>
      %get3A_33 = arith.constant 0 : index
      %get3A_34 = arith.constant 0 : index
      %get3A_35 = vector.load %arg8[%get3A_33, %get3A_34] : memref<1024x1xf32, #tpu.memory_space<vmem>>, vector<1024x1xf32>
      %mul3A_36 = arith.mulf %get3A_35, %exp3A_32 : vector<1024x1xf32>
      %reduce_sum3A = arith.constant dense<0.000000e+00> : vector<1024xf32>
      %reduce_sum3A_37 = vector.multi_reduction <add>, %exp3A, %reduce_sum3A [1] : vector<1024x1024xf32> to vector<1024xf32>
      %broadcast_in_dim3A_38 = vector.shape_cast %reduce_sum3A_37 : vector<1024xf32> to vector<1024x1xf32>
      %add3A_39 = arith.addf %mul3A_36, %broadcast_in_dim3A_38 : vector<1024x1xf32>
      %swap3A = arith.constant 0 : index
      %swap3A_40 = arith.constant 0 : index
      %swap3A_41 = vector.load %arg8[%swap3A, %swap3A_40] : memref<1024x1xf32, #tpu.memory_space<vmem>>, vector<1024x1xf32>
      tpu.vector_store %arg8[%swap3A, %swap3A_40], %add3A_39 {strides = array<i32>} : memref<1024x1xf32, #tpu.memory_space<vmem>>, vector<1024x1xf32>,
      %get3A_42 = arith.constant 0 : index
      %get3A_43 = arith.constant 0 : index
      %get3A_44 = vector.load %arg9[%get3A_42, %get3A_43] : memref<1024x128xf32, #tpu.memory_space<vmem>>, vector<1024x128xf32>
      %mul3A_45 = vector.broadcast %exp3A_32 : vector<1024x1xf32> to vector<1024x128xf32>
      %mul3A_46 = arith.mulf %get3A_44, %mul3A_45 : vector<1024x128xf32>
      %get3A_47 = arith.constant 0 : index
      %get3A_48 = arith.constant 0 : index
      %get3A_49 = vector.load %arg5[%get3A_47, %get3A_48] : memref<1024x128xf32, #tpu.memory_space<vmem>>, vector<1024x128xf32>
      %dot_general3A_50 = arith.constant dense<0.000000e+00> : vector<1024x128xf32>
      %dot_general3A_51 = tpu.matmul %exp3A, %get3A_49, %dot_general3A_50 {dimension_numbers = #tpu.dot_dimension_numbers<[1], [0], [0], [1], [0, 0, 1, 1], [], []>, transpose_lhs_hint = false} : vector<1024x1024xf32>, vector<1024x128xf32>, vector<1024x128xf32> -> vector<1024x128xf32>
      %add3A_52 = arith.addf %mul3A_46, %dot_general3A_51 : vector<1024x128xf32>
      %swap3A_53 = arith.constant 0 : index
      %swap3A_54 = arith.constant 0 : index
      %swap3A_55 = vector.load %arg9[%swap3A_53, %swap3A_54] : memref<1024x128xf32, #tpu.memory_space<vmem>>, vector<1024x128xf32>
      tpu.vector_store %arg9[%swap3A_53, %swap3A_54], %add3A_52 {strides = array<i32>} : memref<1024x128xf32, #tpu.memory_space<vmem>>, vector<1024x128xf32>,
      %swap3A_56 = arith.constant 0 : index
      %swap3A_57 = arith.constant 0 : index
      %swap3A_58 = vector.load %arg7[%swap3A_56, %swap3A_57] : memref<1024x1xf32, #tpu.memory_space<vmem>>, vector<1024x1xf32>
      tpu.vector_store %arg7[%swap3A_56, %swap3A_57], %max3A {strides = array<i32>} : memref<1024x1xf32, #tpu.memory_space<vmem>>, vector<1024x1xf32>,
    } else {
    }
    %eq3A_5 = arith.cmpi eq, %arg2, %arg1 : i32
    %convert_element_type3A_6 = arith.extui %eq3A_5 : i1 to i32
    %cond3A_7 = arith.constant 0 : i32
    %cond3A_8 = arith.cmpi ne, %convert_element_type3A_6, %cond3A_7 : i32
    scf.if %cond3A_8 {
      %get3A = arith.constant 0 : index
      %get3A_9 = arith.constant 0 : index
      %get3A_10 = vector.load %arg9[%get3A, %get3A_9] : memref<1024x128xf32, #tpu.memory_space<vmem>>, vector<1024x128xf32>
      %get3A_11 = arith.constant 0 : index
      %get3A_12 = arith.constant 0 : index
      %get3A_13 = vector.load %arg8[%get3A_11, %get3A_12] : memref<1024x1xf32, #tpu.memory_space<vmem>>, vector<1024x1xf32>
      %div3A = vector.broadcast %get3A_13 : vector<1024x1xf32> to vector<1024x128xf32>
      %div3A_14 = arith.divf %get3A_10, %div3A : vector<1024x128xf32>
      %swap3A = arith.constant 0 : index
      %swap3A_15 = arith.constant 0 : index
      %swap3A_16 = vector.load %arg6[%swap3A, %swap3A_15] : memref<1024x128xf32, #tpu.memory_space<vmem>>, vector<1024x128xf32>
      tpu.vector_store %arg6[%swap3A, %swap3A_15], %div3A_14 {strides = array<i32>} : memref<1024x128xf32, #tpu.memory_space<vmem>>, vector<1024x128xf32>,
    } else {
    }
    return
  }
  func.func @transform_0(%arg0: i32, %arg1: i32, %arg2: i32) -> (i32, i32) {
    %c0_i32 = arith.constant 0 : i32
    return %arg1, %arg0 : i32, i32
  }
  func.func @transform_1(%arg0: i32, %arg1: i32, %arg2: i32) -> (i32, i32) {
    %add3A = arith.constant 16 : i32
    %add3A_0 = arith.addi %add3A, %arg0 : i32
    %c0_i32 = arith.constant 0 : i32
    return %arg2, %add3A_0 : i32, i32
  }
  func.func @transform_2(%arg0: i32, %arg1: i32, %arg2: i32) -> (i32, i32) {
    %add3A = arith.constant 32 : i32
    %add3A_0 = arith.addi %add3A, %arg0 : i32
    %c0_i32 = arith.constant 0 : i32
    return %arg2, %add3A_0 : i32, i32
  }
  func.func @transform_3(%arg0: i32, %arg1: i32, %arg2: i32) -> (i32, i32) {
    %c0_i32 = arith.constant 0 : i32
    return %arg1, %arg0 : i32, i32
  }
}

module attributes {stable_mosaic.version = 14 : i64} {
  func.func @_ln_qkv_body(%arg0: i32, %arg1: memref<2048x2048xf32, #tpu.memory_space<vmem>>, %arg2: memref<1x2048xf32, #tpu.memory_space<vmem>>, %arg3: memref<2048x512xf32, #tpu.memory_space<vmem>>, %arg4: memref<2048x512xf32, #tpu.memory_space<vmem>>) attributes {dimension_semantics = [#tpu.dimension_semantics<arbitrary>], iteration_bounds = array<i64: 12>, scalar_prefetch = 0 : i64, scratch_operands = 0 : i64, tpu.core_type = #tpu.core_type<tc>, window_params = [{pipeline_mode = #tpu.pipeline_mode<synchronous>, transform_indices = @transform_0, window_bounds = array<i64: 2048, 2048>}, {pipeline_mode = #tpu.pipeline_mode<synchronous>, transform_indices = @transform_1, window_bounds = array<i64: 1, 2048>}, {transform_indices = @transform_2, window_bounds = array<i64: 2048, 512>}, {transform_indices = @transform_3, window_bounds = array<i64: 2048, 512>}]} {
    %get3A = arith.constant 0 : index
    %get3A_0 = arith.constant 0 : index
    %get3A_1 = vector.load %arg1[%get3A, %get3A_0] : memref<2048x2048xf32, #tpu.memory_space<vmem>>, vector<2048x2048xf32>
    %mul3A = arith.mulf %get3A_1, %get3A_1 : vector<2048x2048xf32>
    %reduce_sum3A = arith.constant dense<0.000000e+00> : vector<2048xf32>
    %reduce_sum3A_2 = vector.multi_reduction <add>, %mul3A, %reduce_sum3A [1] : vector<2048x2048xf32> to vector<2048xf32>
    %broadcast_in_dim3A = vector.shape_cast %reduce_sum3A_2 : vector<2048xf32> to vector<2048x1xf32>
    %div3A = arith.constant 2.048000e+03 : f32
    %div3A_3 = vector.broadcast %div3A : f32 to vector<2048x1xf32>
    %div3A_4 = arith.divf %broadcast_in_dim3A, %div3A_3 : vector<2048x1xf32>
    %add3A = arith.constant 9.99999997E-7 : f32
    %add3A_5 = vector.broadcast %add3A : f32 to vector<2048x1xf32>
    %add3A_6 = arith.addf %div3A_4, %add3A_5 : vector<2048x1xf32>
    %rsqrt3A = math.rsqrt %add3A_6 : vector<2048x1xf32>
    %mul3A_7 = vector.broadcast %rsqrt3A : vector<2048x1xf32> to vector<2048x2048xf32>
    %mul3A_8 = arith.mulf %get3A_1, %mul3A_7 : vector<2048x2048xf32>
    %get3A_9 = arith.constant 0 : index
    %get3A_10 = arith.constant 0 : index
    %get3A_11 = vector.load %arg2[%get3A_9, %get3A_10] : memref<1x2048xf32, #tpu.memory_space<vmem>>, vector<1x2048xf32>
    %mul3A_12 = vector.broadcast %get3A_11 : vector<1x2048xf32> to vector<2048x2048xf32>
    %mul3A_13 = arith.mulf %mul3A_8, %mul3A_12 : vector<2048x2048xf32>
    %get3A_14 = arith.constant 0 : index
    %get3A_15 = arith.constant 0 : index
    %get3A_16 = vector.load %arg3[%get3A_14, %get3A_15] : memref<2048x512xf32, #tpu.memory_space<vmem>>, vector<2048x512xf32>
    %dot_general3A = arith.constant dense<0.000000e+00> : vector<2048x512xf32>
    %dot_general3A_17 = tpu.matmul %mul3A_13, %get3A_16, %dot_general3A {dimension_numbers = #tpu.dot_dimension_numbers<[1], [0], [0], [1], [0, 0, 1, 1], [], []>, transpose_lhs_hint = false} : vector<2048x2048xf32>, vector<2048x512xf32>, vector<2048x512xf32> -> vector<2048x512xf32>
    %swap3A = arith.constant 0 : index
    %swap3A_18 = arith.constant 0 : index
    %swap3A_19 = vector.load %arg4[%swap3A, %swap3A_18] : memref<2048x512xf32, #tpu.memory_space<vmem>>, vector<2048x512xf32>
    tpu.vector_store %arg4[%swap3A, %swap3A_18], %dot_general3A_17 {strides = array<i32>} : memref<2048x512xf32, #tpu.memory_space<vmem>>, vector<2048x512xf32>,
    return
  }
  func.func @transform_0(%arg0: i32) -> (i32, i32) {
    %c0_i32 = arith.constant 0 : i32
    %c0_i32_0 = arith.constant 0 : i32
    %c0_i32_1 = arith.constant 0 : i32
    return %c0_i32, %c0_i32_0 : i32, i32
  }
  func.func @transform_1(%arg0: i32) -> (i32, i32) {
    %c0_i32 = arith.constant 0 : i32
    %c0_i32_0 = arith.constant 0 : i32
    %c0_i32_1 = arith.constant 0 : i32
    return %c0_i32, %c0_i32_0 : i32, i32
  }
  func.func @transform_2(%arg0: i32) -> (i32, i32) {
    %c0_i32 = arith.constant 0 : i32
    %c0_i32_0 = arith.constant 0 : i32
    return %c0_i32, %arg0 : i32, i32
  }
  func.func @transform_3(%arg0: i32) -> (i32, i32) {
    %c0_i32 = arith.constant 0 : i32
    %c0_i32_0 = arith.constant 0 : i32
    return %c0_i32, %arg0 : i32, i32
  }
}

module attributes {stable_mosaic.version = 14 : i64} {
  func.func @_proj_ln2_body(%arg0: i32, %arg1: memref<256x2048xf32, #tpu.memory_space<vmem>>, %arg2: memref<256x2048xf32, #tpu.memory_space<vmem>>, %arg3: memref<2048x2048xf32, #tpu.memory_space<vmem>>, %arg4: memref<1x2048xf32, #tpu.memory_space<vmem>>, %arg5: memref<2048x8xf32, #tpu.memory_space<vmem>>, %arg6: memref<256x2048xf32, #tpu.memory_space<vmem>>, %arg7: memref<256x2048xbf16, #tpu.memory_space<vmem>>, %arg8: memref<256x8xf32, #tpu.memory_space<vmem>>) attributes {dimension_semantics = [#tpu.dimension_semantics<arbitrary>], iteration_bounds = array<i64: 8>, scalar_prefetch = 0 : i64, scratch_operands = 0 : i64, tpu.core_type = #tpu.core_type<tc>, window_params = [{transform_indices = @transform_0, window_bounds = array<i64: 256, 2048>}, {transform_indices = @transform_1, window_bounds = array<i64: 256, 2048>}, {pipeline_mode = #tpu.pipeline_mode<synchronous>, transform_indices = @transform_2, window_bounds = array<i64: 2048, 2048>}, {pipeline_mode = #tpu.pipeline_mode<synchronous>, transform_indices = @transform_3, window_bounds = array<i64: 1, 2048>}, {pipeline_mode = #tpu.pipeline_mode<synchronous>, transform_indices = @transform_4, window_bounds = array<i64: 2048, 8>}, {transform_indices = @transform_5, window_bounds = array<i64: 256, 2048>}, {transform_indices = @transform_6, window_bounds = array<i64: 256, 2048>}, {transform_indices = @transform_7, window_bounds = array<i64: 256, 8>}]} {
    %get3A = arith.constant 0 : index
    %get3A_0 = arith.constant 0 : index
    %get3A_1 = vector.load %arg1[%get3A, %get3A_0] : memref<256x2048xf32, #tpu.memory_space<vmem>>, vector<256x2048xf32>
    %get3A_2 = arith.constant 0 : index
    %get3A_3 = arith.constant 0 : index
    %get3A_4 = vector.load %arg3[%get3A_2, %get3A_3] : memref<2048x2048xf32, #tpu.memory_space<vmem>>, vector<2048x2048xf32>
    %dot_general3A = arith.constant dense<0.000000e+00> : vector<256x2048xf32>
    %dot_general3A_5 = tpu.matmul %get3A_1, %get3A_4, %dot_general3A {dimension_numbers = #tpu.dot_dimension_numbers<[1], [0], [0], [1], [0, 0, 1, 1], [], []>, transpose_lhs_hint = false} : vector<256x2048xf32>, vector<2048x2048xf32>, vector<256x2048xf32> -> vector<256x2048xf32>
    %get3A_6 = arith.constant 0 : index
    %get3A_7 = arith.constant 0 : index
    %get3A_8 = vector.load %arg2[%get3A_6, %get3A_7] : memref<256x2048xf32, #tpu.memory_space<vmem>>, vector<256x2048xf32>
    %add3A = arith.addf %get3A_8, %dot_general3A_5 : vector<256x2048xf32>
    %swap3A = arith.constant 0 : index
    %swap3A_9 = arith.constant 0 : index
    %swap3A_10 = vector.load %arg6[%swap3A, %swap3A_9] : memref<256x2048xf32, #tpu.memory_space<vmem>>, vector<256x2048xf32>
    tpu.vector_store %arg6[%swap3A, %swap3A_9], %add3A {strides = array<i32>} : memref<256x2048xf32, #tpu.memory_space<vmem>>, vector<256x2048xf32>,
    %mul3A = arith.mulf %add3A, %add3A : vector<256x2048xf32>
    %reduce_sum3A = arith.constant dense<0.000000e+00> : vector<256xf32>
    %reduce_sum3A_11 = vector.multi_reduction <add>, %mul3A, %reduce_sum3A [1] : vector<256x2048xf32> to vector<256xf32>
    %broadcast_in_dim3A = vector.shape_cast %reduce_sum3A_11 : vector<256xf32> to vector<256x1xf32>
    %div3A = arith.constant 2.048000e+03 : f32
    %div3A_12 = vector.broadcast %div3A : f32 to vector<256x1xf32>
    %div3A_13 = arith.divf %broadcast_in_dim3A, %div3A_12 : vector<256x1xf32>
    %add3A_14 = arith.constant 9.99999997E-7 : f32
    %add3A_15 = vector.broadcast %add3A_14 : f32 to vector<256x1xf32>
    %add3A_16 = arith.addf %div3A_13, %add3A_15 : vector<256x1xf32>
    %rsqrt3A = math.rsqrt %add3A_16 : vector<256x1xf32>
    %mul3A_17 = vector.broadcast %rsqrt3A : vector<256x1xf32> to vector<256x2048xf32>
    %mul3A_18 = arith.mulf %add3A, %mul3A_17 : vector<256x2048xf32>
    %get3A_19 = arith.constant 0 : index
    %get3A_20 = arith.constant 0 : index
    %get3A_21 = vector.load %arg4[%get3A_19, %get3A_20] : memref<1x2048xf32, #tpu.memory_space<vmem>>, vector<1x2048xf32>
    %mul3A_22 = vector.broadcast %get3A_21 : vector<1x2048xf32> to vector<256x2048xf32>
    %mul3A_23 = arith.mulf %mul3A_18, %mul3A_22 : vector<256x2048xf32>
    %convert_element_type3A = arith.truncf %mul3A_23 : vector<256x2048xf32> to vector<256x2048xbf16>
    %swap3A_24 = arith.constant 0 : index
    %swap3A_25 = arith.constant 0 : index
    %swap3A_26 = vector.load %arg7[%swap3A_24, %swap3A_25] : memref<256x2048xbf16, #tpu.memory_space<vmem>>, vector<256x2048xbf16>
    tpu.vector_store %arg7[%swap3A_24, %swap3A_25], %convert_element_type3A {strides = array<i32>} : memref<256x2048xbf16, #tpu.memory_space<vmem>>, vector<256x2048xbf16>,
    %get3A_27 = arith.constant 0 : index
    %get3A_28 = arith.constant 0 : index
    %get3A_29 = vector.load %arg5[%get3A_27, %get3A_28] : memref<2048x8xf32, #tpu.memory_space<vmem>>, vector<2048x8xf32>
    %dot_general3A_30 = arith.constant dense<0.000000e+00> : vector<256x8xf32>
    %dot_general3A_31 = tpu.matmul %mul3A_23, %get3A_29, %dot_general3A_30 {dimension_numbers = #tpu.dot_dimension_numbers<[1], [0], [0], [1], [0, 0, 1, 1], [], []>, transpose_lhs_hint = false} : vector<256x2048xf32>, vector<2048x8xf32>, vector<256x8xf32> -> vector<256x8xf32>
    %swap3A_32 = arith.constant 0 : index
    %swap3A_33 = arith.constant 0 : index
    %swap3A_34 = vector.load %arg8[%swap3A_32, %swap3A_33] : memref<256x8xf32, #tpu.memory_space<vmem>>, vector<256x8xf32>
    tpu.vector_store %arg8[%swap3A_32, %swap3A_33], %dot_general3A_31 {strides = array<i32>} : memref<256x8xf32, #tpu.memory_space<vmem>>, vector<256x8xf32>,
    return
  }
  func.func @transform_0(%arg0: i32) -> (i32, i32) {
    %c0_i32 = arith.constant 0 : i32
    %c0_i32_0 = arith.constant 0 : i32
    return %arg0, %c0_i32 : i32, i32
  }
  func.func @transform_1(%arg0: i32) -> (i32, i32) {
    %c0_i32 = arith.constant 0 : i32
    %c0_i32_0 = arith.constant 0 : i32
    return %arg0, %c0_i32 : i32, i32
  }
  func.func @transform_2(%arg0: i32) -> (i32, i32) {
    %c0_i32 = arith.constant 0 : i32
    %c0_i32_0 = arith.constant 0 : i32
    %c0_i32_1 = arith.constant 0 : i32
    return %c0_i32, %c0_i32_0 : i32, i32
  }
  func.func @transform_3(%arg0: i32) -> (i32, i32) {
    %c0_i32 = arith.constant 0 : i32
    %c0_i32_0 = arith.constant 0 : i32
    %c0_i32_1 = arith.constant 0 : i32
    return %c0_i32, %c0_i32_0 : i32, i32
  }
  func.func @transform_4(%arg0: i32) -> (i32, i32) {
    %c0_i32 = arith.constant 0 : i32
    %c0_i32_0 = arith.constant 0 : i32
    %c0_i32_1 = arith.constant 0 : i32
    return %c0_i32, %c0_i32_0 : i32, i32
  }
  func.func @transform_5(%arg0: i32) -> (i32, i32) {
    %c0_i32 = arith.constant 0 : i32
    %c0_i32_0 = arith.constant 0 : i32
    return %arg0, %c0_i32 : i32, i32
  }
  func.func @transform_6(%arg0: i32) -> (i32, i32) {
    %c0_i32 = arith.constant 0 : i32
    %c0_i32_0 = arith.constant 0 : i32
    return %arg0, %c0_i32 : i32, i32
  }
  func.func @transform_7(%arg0: i32) -> (i32, i32) {
    %c0_i32 = arith.constant 0 : i32
    %c0_i32_0 = arith.constant 0 : i32
    return %arg0, %c0_i32 : i32, i32
  }
}

module attributes {stable_mosaic.version = 14 : i64} {
  func.func @_route_plan_body(%arg0: memref<2048x8xf32, #tpu.memory_space<vmem>>, %arg1: memref<2048x1xi32, #tpu.memory_space<vmem>>, %arg2: memref<2048x1xi32, #tpu.memory_space<vmem>>, %arg3: memref<2048x1xf32, #tpu.memory_space<vmem>>, %arg4: memref<2048x1xf32, #tpu.memory_space<vmem>>, %arg5: memref<8x32xi32, #tpu.memory_space<vmem>>, %arg6: memref<2048x8xf32, #tpu.memory_space<vmem>>, %arg7: memref<2048x8xf32, #tpu.memory_space<vmem>>, %arg8: memref<2048x8xf32, #tpu.memory_space<vmem>>) attributes {dimension_semantics = [], scalar_prefetch = 0 : i64, scratch_operands = 3 : i64, tpu.core_type = #tpu.core_type<tc>} {
    %get3A = arith.constant 0 : index
    %get3A_0 = arith.constant 0 : index
    %get3A_1 = vector.load %arg0[%get3A, %get3A_0] : memref<2048x8xf32, #tpu.memory_space<vmem>>, vector<2048x8xf32>
    %iota3A = tpu.iota {dimensions = array<i32: 1>} : vector<2048x8xi32>
    %reduce_max3A = arith.constant dense<0xFF800000> : vector<2048xf32>
    %reduce_max3A_2 = vector.multi_reduction <maximumf>, %get3A_1, %reduce_max3A [1] : vector<2048x8xf32> to vector<2048xf32>
    %broadcast_in_dim3A = vector.shape_cast %reduce_max3A_2 : vector<2048xf32> to vector<2048x1xf32>
    %eq3A = vector.broadcast %broadcast_in_dim3A : vector<2048x1xf32> to vector<2048x8xf32>
    %eq3A_3 = arith.cmpf oeq, %get3A_1, %eq3A : vector<2048x8xf32>
    %jit3A = arith.constant 8 : i32
    %broadcast_in_dim3A_4 = vector.broadcast %jit3A : i32 to vector<2048x8xi32>
    %select_n3A = arith.select %eq3A_3, %iota3A, %broadcast_in_dim3A_4 : vector<2048x8xi1>, vector<2048x8xi32>
    %reduce_min3A = arith.constant dense<2147483647> : vector<2048xi32>
    %reduce_min3A_5 = vector.multi_reduction <minsi>, %select_n3A, %reduce_min3A [1] : vector<2048x8xi32> to vector<2048xi32>
    %broadcast_in_dim3A_6 = vector.shape_cast %reduce_min3A_5 : vector<2048xi32> to vector<2048x1xi32>
    %eq3A_7 = vector.broadcast %broadcast_in_dim3A_6 : vector<2048x1xi32> to vector<2048x8xi32>
    %eq3A_8 = arith.cmpi eq, %iota3A, %eq3A_7 : vector<2048x8xi32>
    %jit3A_9 = arith.constant -1.000000e+30 : f32
    %broadcast_in_dim3A_10 = vector.broadcast %jit3A_9 : f32 to vector<2048x8xf32>
    %select_n3A_11 = arith.select %eq3A_8, %broadcast_in_dim3A_10, %get3A_1 : vector<2048x8xi1>, vector<2048x8xf32>
    %reduce_max3A_12 = arith.constant dense<0xFF800000> : vector<2048xf32>
    %reduce_max3A_13 = vector.multi_reduction <maximumf>, %select_n3A_11, %reduce_max3A_12 [1] : vector<2048x8xf32> to vector<2048xf32>
    %broadcast_in_dim3A_14 = vector.shape_cast %reduce_max3A_13 : vector<2048xf32> to vector<2048x1xf32>
    %eq3A_15 = vector.broadcast %broadcast_in_dim3A_14 : vector<2048x1xf32> to vector<2048x8xf32>
    %eq3A_16 = arith.cmpf oeq, %select_n3A_11, %eq3A_15 : vector<2048x8xf32>
    %jit3A_17 = arith.constant 8 : i32
    %broadcast_in_dim3A_18 = vector.broadcast %jit3A_17 : i32 to vector<2048x8xi32>
    %select_n3A_19 = arith.select %eq3A_16, %iota3A, %broadcast_in_dim3A_18 : vector<2048x8xi1>, vector<2048x8xi32>
    %reduce_min3A_20 = arith.constant dense<2147483647> : vector<2048xi32>
    %reduce_min3A_21 = vector.multi_reduction <minsi>, %select_n3A_19, %reduce_min3A_20 [1] : vector<2048x8xi32> to vector<2048xi32>
    %broadcast_in_dim3A_22 = vector.shape_cast %reduce_min3A_21 : vector<2048xi32> to vector<2048x1xi32>
    %eq3A_23 = vector.broadcast %broadcast_in_dim3A_22 : vector<2048x1xi32> to vector<2048x8xi32>
    %eq3A_24 = arith.cmpi eq, %iota3A, %eq3A_23 : vector<2048x8xi32>
    %sub3A = arith.subf %broadcast_in_dim3A, %broadcast_in_dim3A_14 : vector<2048x1xf32>
    %logistic3A = arith.negf %sub3A : vector<2048x1xf32>
    %logistic3A_25 = math.exp %logistic3A : vector<2048x1xf32>
    %logistic3A_26 = arith.constant 1.000000e+00 : f32
    %logistic3A_27 = vector.broadcast %logistic3A_26 : f32 to vector<2048x1xf32>
    %logistic3A_28 = arith.addf %logistic3A_27, %logistic3A_25 : vector<2048x1xf32>
    %logistic3A_29 = arith.divf %logistic3A_27, %logistic3A_28 : vector<2048x1xf32>
    %swap3A = arith.constant 0 : index
    %swap3A_30 = arith.constant 0 : index
    %swap3A_31 = vector.load %arg3[%swap3A, %swap3A_30] : memref<2048x1xf32, #tpu.memory_space<vmem>>, vector<2048x1xf32>
    tpu.vector_store %arg3[%swap3A, %swap3A_30], %logistic3A_29 {strides = array<i32>} : memref<2048x1xf32, #tpu.memory_space<vmem>>, vector<2048x1xf32>,
    %sub3A_32 = arith.subf %broadcast_in_dim3A_14, %broadcast_in_dim3A : vector<2048x1xf32>
    %logistic3A_33 = arith.negf %sub3A_32 : vector<2048x1xf32>
    %logistic3A_34 = math.exp %logistic3A_33 : vector<2048x1xf32>
    %logistic3A_35 = arith.constant 1.000000e+00 : f32
    %logistic3A_36 = vector.broadcast %logistic3A_35 : f32 to vector<2048x1xf32>
    %logistic3A_37 = arith.addf %logistic3A_36, %logistic3A_34 : vector<2048x1xf32>
    %logistic3A_38 = arith.divf %logistic3A_36, %logistic3A_37 : vector<2048x1xf32>
    %swap3A_39 = arith.constant 0 : index
    %swap3A_40 = arith.constant 0 : index
    %swap3A_41 = vector.load %arg4[%swap3A_39, %swap3A_40] : memref<2048x1xf32, #tpu.memory_space<vmem>>, vector<2048x1xf32>
    tpu.vector_store %arg4[%swap3A_39, %swap3A_40], %logistic3A_38 {strides = array<i32>} : memref<2048x1xf32, #tpu.memory_space<vmem>>, vector<2048x1xf32>,
    %jit3A_42 = arith.constant 1.000000e+00 : f32
    %jit3A_43 = arith.constant 0.000000e+00 : f32
    %broadcast_in_dim3A_44 = vector.broadcast %jit3A_42 : f32 to vector<2048x8xf32>
    %broadcast_in_dim3A_45 = vector.broadcast %jit3A_43 : f32 to vector<2048x8xf32>
    %select_n3A_46 = arith.select %eq3A_8, %broadcast_in_dim3A_44, %broadcast_in_dim3A_45 : vector<2048x8xi1>, vector<2048x8xf32>
    %jit3A_47 = arith.constant 1.000000e+00 : f32
    %jit3A_48 = arith.constant 0.000000e+00 : f32
    %broadcast_in_dim3A_49 = vector.broadcast %jit3A_47 : f32 to vector<2048x8xf32>
    %broadcast_in_dim3A_50 = vector.broadcast %jit3A_48 : f32 to vector<2048x8xf32>
    %select_n3A_51 = arith.select %eq3A_24, %broadcast_in_dim3A_49, %broadcast_in_dim3A_50 : vector<2048x8xi1>, vector<2048x8xf32>
    %add3A = arith.addf %select_n3A_46, %select_n3A_51 : vector<2048x8xf32>
    %swap3A_52 = arith.constant 0 : index
    %swap3A_53 = arith.constant 0 : index
    %swap3A_54 = vector.load %arg6[%swap3A_52, %swap3A_53] : memref<2048x8xf32, #tpu.memory_space<vmem>>, vector<2048x8xf32>
    tpu.vector_store %arg6[%swap3A_52, %swap3A_53], %add3A {strides = array<i32>} : memref<2048x8xf32, #tpu.memory_space<vmem>>, vector<2048x8xf32>,
    %jit3A_55 = arith.constant 1.000000e+00 : f32
    %jit3A_56 = arith.constant 0.000000e+00 : f32
    %broadcast_in_dim3A_57 = vector.broadcast %jit3A_55 : f32 to vector<2048x8xf32>
    %broadcast_in_dim3A_58 = vector.broadcast %jit3A_56 : f32 to vector<2048x8xf32>
    %select_n3A_59 = arith.select %eq3A_8, %broadcast_in_dim3A_57, %broadcast_in_dim3A_58 : vector<2048x8xi1>, vector<2048x8xf32>
    %swap3A_60 = arith.constant 0 : index
    %swap3A_61 = arith.constant 0 : index
    %swap3A_62 = vector.load %arg7[%swap3A_60, %swap3A_61] : memref<2048x8xf32, #tpu.memory_space<vmem>>, vector<2048x8xf32>
    tpu.vector_store %arg7[%swap3A_60, %swap3A_61], %select_n3A_59 {strides = array<i32>} : memref<2048x8xf32, #tpu.memory_space<vmem>>, vector<2048x8xf32>,
    %jit3A_63 = arith.constant 1.000000e+00 : f32
    %jit3A_64 = arith.constant 0.000000e+00 : f32
    %broadcast_in_dim3A_65 = vector.broadcast %jit3A_63 : f32 to vector<2048x8xf32>
    %broadcast_in_dim3A_66 = vector.broadcast %jit3A_64 : f32 to vector<2048x8xf32>
    %select_n3A_67 = arith.select %eq3A_24, %broadcast_in_dim3A_65, %broadcast_in_dim3A_66 : vector<2048x8xi1>, vector<2048x8xf32>
    %swap3A_68 = arith.constant 0 : index
    %swap3A_69 = arith.constant 0 : index
    %swap3A_70 = vector.load %arg8[%swap3A_68, %swap3A_69] : memref<2048x8xf32, #tpu.memory_space<vmem>>, vector<2048x8xf32>
    tpu.vector_store %arg8[%swap3A_68, %swap3A_69], %select_n3A_67 {strides = array<i32>} : memref<2048x8xf32, #tpu.memory_space<vmem>>, vector<2048x8xf32>,
    %reduce_sum3A = arith.constant dense<0.000000e+00> : vector<8xf32>
    %reduce_sum3A_71 = vector.multi_reduction <add>, %add3A, %reduce_sum3A [0] : vector<2048x8xf32> to vector<8xf32>
    %broadcast_in_dim3A_72 = vector.shape_cast %reduce_sum3A_71 : vector<8xf32> to vector<1x8xf32>
    %iota3A_73 = tpu.iota {dimensions = array<i32: 0>} : vector<8x8xi32>
    %iota3A_74 = tpu.iota {dimensions = array<i32: 1>} : vector<8x8xi32>
    %lt3A = arith.cmpi slt, %iota3A_73, %iota3A_74 : vector<8x8xi32>
    %jit3A_75 = arith.constant 1.000000e+00 : f32
    %jit3A_76 = arith.constant 0.000000e+00 : f32
    %broadcast_in_dim3A_77 = vector.broadcast %jit3A_75 : f32 to vector<8x8xf32>
    %broadcast_in_dim3A_78 = vector.broadcast %jit3A_76 : f32 to vector<8x8xf32>
    %select_n3A_79 = arith.select %lt3A, %broadcast_in_dim3A_77, %broadcast_in_dim3A_78 : vector<8x8xi1>, vector<8x8xf32>
    %dot_general3A = arith.constant dense<0.000000e+00> : vector<1x8xf32>
    %dot_general3A_80 = tpu.matmul %broadcast_in_dim3A_72, %select_n3A_79, %dot_general3A {dimension_numbers = #tpu.dot_dimension_numbers<[1], [0], [0], [1], [0, 0, 1, 1], [], []>, precision = #tpu.contract_precision<fp32>, transpose_lhs_hint = false} : vector<1x8xf32>, vector<8x8xf32>, vector<1x8xf32> -> vector<1x8xf32>
    %iota3A_81 = tpu.iota {dimensions = array<i32: 0>} : vector<256x256xi32>
    %iota3A_82 = tpu.iota {dimensions = array<i32: 1>} : vector<256x256xi32>
    %lt3A_83 = arith.cmpi slt, %iota3A_82, %iota3A_81 : vector<256x256xi32>
    %jit3A_84 = arith.constant 1.000000e+00 : f32
    %jit3A_85 = arith.constant 0.000000e+00 : f32
    %broadcast_in_dim3A_86 = vector.broadcast %jit3A_84 : f32 to vector<256x256xf32>
    %broadcast_in_dim3A_87 = vector.broadcast %jit3A_85 : f32 to vector<256x256xf32>
    %select_n3A_88 = arith.select %lt3A_83, %broadcast_in_dim3A_86, %broadcast_in_dim3A_87 : vector<256x256xi1>, vector<256x256xf32>
    %broadcast_in_dim3A_89 = arith.constant 0.000000e+00 : f32
    %broadcast_in_dim3A_90 = vector.broadcast %broadcast_in_dim3A_89 : f32 to vector<1x8xf32>
    %scan3A = arith.constant 0 : i32
    %scan3A_91 = arith.constant 8 : i32
    %scan3A_92 = arith.addi %scan3A, %scan3A_91 : i32
    %scan3A_93 = arith.constant 1 : i32
    %scan3A_94 = scf.for %scan3A_277 = %scan3A to %scan3A_92 step %scan3A_93 iter_args(%scan3A_278 = %broadcast_in_dim3A_90) -> (vector<1x8xf32>)  : i32 {
      %mul3A_279 = arith.constant 256 : i32
      %mul3A_280 = arith.muli %scan3A_277, %mul3A_279 : i32
      %get3A_281 = arith.index_cast %mul3A_280 : i32 to index
      %get3A_282 = arith.constant 0 : index
      %get3A_283 = vector.load %arg6[%get3A_281, %get3A_282] : memref<2048x8xf32, #tpu.memory_space<vmem>>, vector<256x8xf32>
      %mul3A_284 = arith.constant 256 : i32
      %mul3A_285 = arith.muli %scan3A_277, %mul3A_284 : i32
      %get3A_286 = arith.index_cast %mul3A_285 : i32 to index
      %get3A_287 = arith.constant 0 : index
      %get3A_288 = vector.load %arg7[%get3A_286, %get3A_287] : memref<2048x8xf32, #tpu.memory_space<vmem>>, vector<256x8xf32>
      %mul3A_289 = arith.constant 256 : i32
      %mul3A_290 = arith.muli %scan3A_277, %mul3A_289 : i32
      %get3A_291 = arith.index_cast %mul3A_290 : i32 to index
      %get3A_292 = arith.constant 0 : index
      %get3A_293 = vector.load %arg8[%get3A_291, %get3A_292] : memref<2048x8xf32, #tpu.memory_space<vmem>>, vector<256x8xf32>
      %dot_general3A_294 = arith.constant dense<0.000000e+00> : vector<256x8xf32>
      %dot_general3A_295 = tpu.matmul %select_n3A_88, %get3A_283, %dot_general3A_294 {dimension_numbers = #tpu.dot_dimension_numbers<[1], [0], [0], [1], [0, 0, 1, 1], [], []>, precision = #tpu.contract_precision<fp32>, transpose_lhs_hint = false} : vector<256x256xf32>, vector<256x8xf32>, vector<256x8xf32> -> vector<256x8xf32>
      %add3A_296 = vector.broadcast %scan3A_278 : vector<1x8xf32> to vector<256x8xf32>
      %add3A_297 = arith.addf %dot_general3A_295, %add3A_296 : vector<256x8xf32>
      %add3A_298 = vector.broadcast %dot_general3A_80 : vector<1x8xf32> to vector<256x8xf32>
      %add3A_299 = arith.addf %add3A_297, %add3A_298 : vector<256x8xf32>
      %mul3A_300 = arith.mulf %add3A_299, %get3A_288 : vector<256x8xf32>
      %reduce_sum3A_301 = arith.constant dense<0.000000e+00> : vector<256xf32>
      %reduce_sum3A_302 = vector.multi_reduction <add>, %mul3A_300, %reduce_sum3A_301 [1] : vector<256x8xf32> to vector<256xf32>
      %broadcast_in_dim3A_303 = vector.shape_cast %reduce_sum3A_302 : vector<256xf32> to vector<256x1xf32>
      %convert_element_type3A_304 = arith.fptosi %broadcast_in_dim3A_303 : vector<256x1xf32> to vector<256x1xi32>
      %mul3A_305 = arith.constant 256 : i32
      %mul3A_306 = arith.muli %scan3A_277, %mul3A_305 : i32
      %swap3A_307 = arith.index_cast %mul3A_306 : i32 to index
      %swap3A_308 = arith.constant 0 : index
      %swap3A_309 = vector.load %arg1[%swap3A_307, %swap3A_308] : memref<2048x1xi32, #tpu.memory_space<vmem>>, vector<256x1xi32>
      tpu.vector_store %arg1[%swap3A_307, %swap3A_308], %convert_element_type3A_304 {strides = array<i32>} : memref<2048x1xi32, #tpu.memory_space<vmem>>, vector<256x1xi32>,
      %mul3A_310 = arith.mulf %add3A_299, %get3A_293 : vector<256x8xf32>
      %reduce_sum3A_311 = arith.constant dense<0.000000e+00> : vector<256xf32>
      %reduce_sum3A_312 = vector.multi_reduction <add>, %mul3A_310, %reduce_sum3A_311 [1] : vector<256x8xf32> to vector<256xf32>
      %broadcast_in_dim3A_313 = vector.shape_cast %reduce_sum3A_312 : vector<256xf32> to vector<256x1xf32>
      %convert_element_type3A_314 = arith.fptosi %broadcast_in_dim3A_313 : vector<256x1xf32> to vector<256x1xi32>
      %mul3A_315 = arith.constant 256 : i32
      %mul3A_316 = arith.muli %scan3A_277, %mul3A_315 : i32
      %swap3A_317 = arith.index_cast %mul3A_316 : i32 to index
      %swap3A_318 = arith.constant 0 : index
      %swap3A_319 = vector.load %arg2[%swap3A_317, %swap3A_318] : memref<2048x1xi32, #tpu.memory_space<vmem>>, vector<256x1xi32>
      tpu.vector_store %arg2[%swap3A_317, %swap3A_318], %convert_element_type3A_314 {strides = array<i32>} : memref<2048x1xi32, #tpu.memory_space<vmem>>, vector<256x1xi32>,
      %reduce_sum3A_320 = arith.constant dense<0.000000e+00> : vector<8xf32>
      %reduce_sum3A_321 = vector.multi_reduction <add>, %get3A_283, %reduce_sum3A_320 [0] : vector<256x8xf32> to vector<8xf32>
      %broadcast_in_dim3A_322 = vector.shape_cast %reduce_sum3A_321 : vector<8xf32> to vector<1x8xf32>
      %add3A_323 = arith.addf %scan3A_278, %broadcast_in_dim3A_322 : vector<1x8xf32>
      scf.yield %add3A_323 : vector<1x8xf32>
    }
    %scan3A_95 = arith.constant 8 : i32
    %eq3A_96 = arith.cmpi eq, %iota3A_73, %iota3A_74 : vector<8x8xi32>
    %jit3A_97 = arith.constant 1.000000e+00 : f32
    %jit3A_98 = arith.constant 0.000000e+00 : f32
    %broadcast_in_dim3A_99 = vector.broadcast %jit3A_97 : f32 to vector<8x8xf32>
    %broadcast_in_dim3A_100 = vector.broadcast %jit3A_98 : f32 to vector<8x8xf32>
    %select_n3A_101 = arith.select %eq3A_96, %broadcast_in_dim3A_99, %broadcast_in_dim3A_100 : vector<8x8xi1>, vector<8x8xf32>
    %lt3A_102 = arith.cmpi slt, %iota3A_74, %iota3A_73 : vector<8x8xi32>
    %jit3A_103 = arith.constant 1.000000e+00 : f32
    %jit3A_104 = arith.constant 0.000000e+00 : f32
    %broadcast_in_dim3A_105 = vector.broadcast %jit3A_103 : f32 to vector<8x8xf32>
    %broadcast_in_dim3A_106 = vector.broadcast %jit3A_104 : f32 to vector<8x8xf32>
    %select_n3A_107 = arith.select %lt3A_102, %broadcast_in_dim3A_105, %broadcast_in_dim3A_106 : vector<8x8xi1>, vector<8x8xf32>
    %le3A = arith.cmpi sle, %iota3A_74, %iota3A_73 : vector<8x8xi32>
    %jit3A_108 = arith.constant 1.000000e+00 : f32
    %jit3A_109 = arith.constant 0.000000e+00 : f32
    %broadcast_in_dim3A_110 = vector.broadcast %jit3A_108 : f32 to vector<8x8xf32>
    %broadcast_in_dim3A_111 = vector.broadcast %jit3A_109 : f32 to vector<8x8xf32>
    %select_n3A_112 = arith.select %le3A, %broadcast_in_dim3A_110, %broadcast_in_dim3A_111 : vector<8x8xi1>, vector<8x8xf32>
    %dot_general3A_113 = arith.constant dense<0.000000e+00> : vector<8x1xf32>
    %dot_general3A_114 = tpu.matmul %select_n3A_101, %broadcast_in_dim3A_72, %dot_general3A_113 {dimension_numbers = #tpu.dot_dimension_numbers<[1], [1], [0], [0], [0, 0, 1, 0], [], []>, precision = #tpu.contract_precision<fp32>, transpose_lhs_hint = false} : vector<8x8xf32>, vector<1x8xf32>, vector<8x1xf32> -> vector<8x1xf32>
    %dot_general3A_115 = arith.constant dense<0.000000e+00> : vector<8x1xf32>
    %dot_general3A_116 = tpu.matmul %select_n3A_107, %dot_general3A_114, %dot_general3A_115 {dimension_numbers = #tpu.dot_dimension_numbers<[1], [0], [0], [1], [0, 0, 1, 1], [], []>, precision = #tpu.contract_precision<fp32>, transpose_lhs_hint = false} : vector<8x8xf32>, vector<8x1xf32>, vector<8x1xf32> -> vector<8x1xf32>
    %convert_element_type3A = arith.fptosi %dot_general3A_114 : vector<8x1xf32> to vector<8x1xi32>
    %convert_element_type3A_117 = arith.fptosi %dot_general3A_116 : vector<8x1xf32> to vector<8x1xi32>
    %add3A_118 = arith.addi %convert_element_type3A_117, %convert_element_type3A : vector<8x1xi32>
    %jit3A_119 = arith.constant 256 : i32
    %div3A = vector.broadcast %jit3A_119 : i32 to vector<8x1xi32>
    %div3A_120 = arith.divsi %convert_element_type3A_117, %div3A : vector<8x1xi32>
    %sign3A = arith.constant 0 : i32
    %sign3A_121 = vector.broadcast %sign3A : i32 to vector<8x1xi32>
    %sign3A_122 = arith.cmpi sgt, %convert_element_type3A_117, %sign3A_121 : vector<8x1xi32>
    %sign3A_123 = arith.extui %sign3A_122 : vector<8x1xi1> to vector<8x1xi32>
    %sign3A_124 = arith.constant 0 : i32
    %sign3A_125 = vector.broadcast %sign3A_124 : i32 to vector<8x1xi32>
    %sign3A_126 = arith.cmpi slt, %convert_element_type3A_117, %sign3A_125 : vector<8x1xi32>
    %sign3A_127 = arith.extui %sign3A_126 : vector<8x1xi1> to vector<8x1xi32>
    %sign3A_128 = arith.subi %sign3A_123, %sign3A_127 : vector<8x1xi32>
    %sign3A_129 = arith.constant 0 : i32
    %sign3A_130 = arith.cmpi sgt, %jit3A_119, %sign3A_129 : i32
    %sign3A_131 = arith.extui %sign3A_130 : i1 to i32
    %sign3A_132 = arith.constant 0 : i32
    %sign3A_133 = arith.cmpi slt, %jit3A_119, %sign3A_132 : i32
    %sign3A_134 = arith.extui %sign3A_133 : i1 to i32
    %sign3A_135 = arith.subi %sign3A_131, %sign3A_134 : i32
    %ne3A = vector.broadcast %sign3A_135 : i32 to vector<8x1xi32>
    %ne3A_136 = arith.cmpi ne, %sign3A_128, %ne3A : vector<8x1xi32>
    %rem3A = vector.broadcast %jit3A_119 : i32 to vector<8x1xi32>
    %rem3A_137 = arith.remsi %convert_element_type3A_117, %rem3A : vector<8x1xi32>
    %ne3A_138 = arith.constant 0 : i32
    %ne3A_139 = vector.broadcast %ne3A_138 : i32 to vector<8x1xi32>
    %ne3A_140 = arith.cmpi ne, %rem3A_137, %ne3A_139 : vector<8x1xi32>
    %and3A = arith.andi %ne3A_136, %ne3A_140 : vector<8x1xi1>
    %sub3A_141 = arith.constant 1 : i32
    %sub3A_142 = vector.broadcast %sub3A_141 : i32 to vector<8x1xi32>
    %sub3A_143 = arith.subi %div3A_120, %sub3A_142 : vector<8x1xi32>
    %select_n3A_144 = arith.select %and3A, %sub3A_143, %div3A_120 : vector<8x1xi1>, vector<8x1xi32>
    %add3A_145 = arith.constant 255 : i32
    %add3A_146 = vector.broadcast %add3A_145 : i32 to vector<8x1xi32>
    %add3A_147 = arith.addi %add3A_118, %add3A_146 : vector<8x1xi32>
    %jit3A_148 = arith.constant 256 : i32
    %div3A_149 = vector.broadcast %jit3A_148 : i32 to vector<8x1xi32>
    %div3A_150 = arith.divsi %add3A_147, %div3A_149 : vector<8x1xi32>
    %sign3A_151 = arith.constant 0 : i32
    %sign3A_152 = vector.broadcast %sign3A_151 : i32 to vector<8x1xi32>
    %sign3A_153 = arith.cmpi sgt, %add3A_147, %sign3A_152 : vector<8x1xi32>
    %sign3A_154 = arith.extui %sign3A_153 : vector<8x1xi1> to vector<8x1xi32>
    %sign3A_155 = arith.constant 0 : i32
    %sign3A_156 = vector.broadcast %sign3A_155 : i32 to vector<8x1xi32>
    %sign3A_157 = arith.cmpi slt, %add3A_147, %sign3A_156 : vector<8x1xi32>
    %sign3A_158 = arith.extui %sign3A_157 : vector<8x1xi1> to vector<8x1xi32>
    %sign3A_159 = arith.subi %sign3A_154, %sign3A_158 : vector<8x1xi32>
    %sign3A_160 = arith.constant 0 : i32
    %sign3A_161 = arith.cmpi sgt, %jit3A_148, %sign3A_160 : i32
    %sign3A_162 = arith.extui %sign3A_161 : i1 to i32
    %sign3A_163 = arith.constant 0 : i32
    %sign3A_164 = arith.cmpi slt, %jit3A_148, %sign3A_163 : i32
    %sign3A_165 = arith.extui %sign3A_164 : i1 to i32
    %sign3A_166 = arith.subi %sign3A_162, %sign3A_165 : i32
    %ne3A_167 = vector.broadcast %sign3A_166 : i32 to vector<8x1xi32>
    %ne3A_168 = arith.cmpi ne, %sign3A_159, %ne3A_167 : vector<8x1xi32>
    %rem3A_169 = vector.broadcast %jit3A_148 : i32 to vector<8x1xi32>
    %rem3A_170 = arith.remsi %add3A_147, %rem3A_169 : vector<8x1xi32>
    %ne3A_171 = arith.constant 0 : i32
    %ne3A_172 = vector.broadcast %ne3A_171 : i32 to vector<8x1xi32>
    %ne3A_173 = arith.cmpi ne, %rem3A_170, %ne3A_172 : vector<8x1xi32>
    %and3A_174 = arith.andi %ne3A_168, %ne3A_173 : vector<8x1xi1>
    %sub3A_175 = arith.constant 1 : i32
    %sub3A_176 = vector.broadcast %sub3A_175 : i32 to vector<8x1xi32>
    %sub3A_177 = arith.subi %div3A_150, %sub3A_176 : vector<8x1xi32>
    %select_n3A_178 = arith.select %and3A_174, %sub3A_177, %div3A_150 : vector<8x1xi1>, vector<8x1xi32>
    %gt3A = arith.constant 0 : i32
    %gt3A_179 = vector.broadcast %gt3A : i32 to vector<8x1xi32>
    %gt3A_180 = arith.cmpi sgt, %convert_element_type3A, %gt3A_179 : vector<8x1xi32>
    %sub3A_181 = arith.subi %select_n3A_178, %select_n3A_144 : vector<8x1xi32>
    %jit3A_182 = arith.constant 0 : i32
    %broadcast_in_dim3A_183 = vector.broadcast %jit3A_182 : i32 to vector<8x1xi32>
    %select_n3A_184 = arith.select %gt3A_180, %sub3A_181, %broadcast_in_dim3A_183 : vector<8x1xi1>, vector<8x1xi32>
    %convert_element_type3A_185 = arith.sitofp %select_n3A_184 : vector<8x1xi32> to vector<8x1xf32>
    %dot_general3A_186 = arith.constant dense<0.000000e+00> : vector<8x1xf32>
    %dot_general3A_187 = tpu.matmul %select_n3A_107, %convert_element_type3A_185, %dot_general3A_186 {dimension_numbers = #tpu.dot_dimension_numbers<[1], [0], [0], [1], [0, 0, 1, 1], [], []>, precision = #tpu.contract_precision<fp32>, transpose_lhs_hint = false} : vector<8x8xf32>, vector<8x1xf32>, vector<8x1xf32> -> vector<8x1xf32>
    %convert_element_type3A_188 = arith.fptosi %dot_general3A_187 : vector<8x1xf32> to vector<8x1xi32>
    %dot_general3A_189 = arith.constant dense<0.000000e+00> : vector<8x1xf32>
    %dot_general3A_190 = tpu.matmul %select_n3A_112, %convert_element_type3A_185, %dot_general3A_189 {dimension_numbers = #tpu.dot_dimension_numbers<[1], [0], [0], [1], [0, 0, 1, 1], [], []>, precision = #tpu.contract_precision<fp32>, transpose_lhs_hint = false} : vector<8x8xf32>, vector<8x1xf32>, vector<8x1xf32> -> vector<8x1xf32>
    %convert_element_type3A_191 = arith.fptosi %dot_general3A_190 : vector<8x1xf32> to vector<8x1xi32>
    %iota3A_192 = tpu.iota {dimensions = array<i32: 1>} : vector<1x32xi32>
    %le3A_193 = vector.broadcast %convert_element_type3A_191 : vector<8x1xi32> to vector<8x32xi32>
    %le3A_194 = vector.broadcast %iota3A_192 : vector<1x32xi32> to vector<8x32xi32>
    %le3A_195 = arith.cmpi sle, %le3A_193, %le3A_194 : vector<8x32xi32>
    %jit3A_196 = arith.constant 1 : i32
    %jit3A_197 = arith.constant 0 : i32
    %broadcast_in_dim3A_198 = vector.broadcast %jit3A_196 : i32 to vector<8x32xi32>
    %broadcast_in_dim3A_199 = vector.broadcast %jit3A_197 : i32 to vector<8x32xi32>
    %select_n3A_200 = arith.select %le3A_195, %broadcast_in_dim3A_198, %broadcast_in_dim3A_199 : vector<8x32xi1>, vector<8x32xi32>
    %reduce_sum3A_201 = arith.constant dense<0> : vector<32xi32>
    %reduce_sum3A_202 = vector.multi_reduction <add>, %select_n3A_200, %reduce_sum3A_201 [0] : vector<8x32xi32> to vector<32xi32>
    %broadcast_in_dim3A_203 = vector.shape_cast %reduce_sum3A_202 : vector<32xi32> to vector<1x32xi32>
    %iota3A_204 = tpu.iota {dimensions = array<i32: 0>} : vector<8x32xi32>
    %eq3A_205 = vector.broadcast %broadcast_in_dim3A_203 : vector<1x32xi32> to vector<8x32xi32>
    %eq3A_206 = arith.cmpi eq, %iota3A_204, %eq3A_205 : vector<8x32xi32>
    %jit3A_207 = arith.constant 0 : i32
    %broadcast_in_dim3A_208 = vector.shape_cast %convert_element_type3A_188 : vector<8x1xi32> to vector<8x1xi32>
    %broadcast_in_dim3A_209 = vector.broadcast %broadcast_in_dim3A_208 : vector<8x1xi32> to vector<8x32xi32>
    %broadcast_in_dim3A_210 = vector.broadcast %jit3A_207 : i32 to vector<8x32xi32>
    %select_n3A_211 = arith.select %eq3A_206, %broadcast_in_dim3A_209, %broadcast_in_dim3A_210 : vector<8x32xi1>, vector<8x32xi32>
    %reduce_sum3A_212 = arith.constant dense<0> : vector<32xi32>
    %reduce_sum3A_213 = vector.multi_reduction <add>, %select_n3A_211, %reduce_sum3A_212 [0] : vector<8x32xi32> to vector<32xi32>
    %broadcast_in_dim3A_214 = vector.shape_cast %reduce_sum3A_213 : vector<32xi32> to vector<1x32xi32>
    %jit3A_215 = arith.constant 0 : i32
    %broadcast_in_dim3A_216 = vector.shape_cast %select_n3A_144 : vector<8x1xi32> to vector<8x1xi32>
    %broadcast_in_dim3A_217 = vector.broadcast %broadcast_in_dim3A_216 : vector<8x1xi32> to vector<8x32xi32>
    %broadcast_in_dim3A_218 = vector.broadcast %jit3A_215 : i32 to vector<8x32xi32>
    %select_n3A_219 = arith.select %eq3A_206, %broadcast_in_dim3A_217, %broadcast_in_dim3A_218 : vector<8x32xi1>, vector<8x32xi32>
    %reduce_sum3A_220 = arith.constant dense<0> : vector<32xi32>
    %reduce_sum3A_221 = vector.multi_reduction <add>, %select_n3A_219, %reduce_sum3A_220 [0] : vector<8x32xi32> to vector<32xi32>
    %broadcast_in_dim3A_222 = vector.shape_cast %reduce_sum3A_221 : vector<32xi32> to vector<1x32xi32>
    %jit3A_223 = arith.constant 0 : i32
    %broadcast_in_dim3A_224 = vector.shape_cast %convert_element_type3A_117 : vector<8x1xi32> to vector<8x1xi32>
    %broadcast_in_dim3A_225 = vector.broadcast %broadcast_in_dim3A_224 : vector<8x1xi32> to vector<8x32xi32>
    %broadcast_in_dim3A_226 = vector.broadcast %jit3A_223 : i32 to vector<8x32xi32>
    %select_n3A_227 = arith.select %eq3A_206, %broadcast_in_dim3A_225, %broadcast_in_dim3A_226 : vector<8x32xi1>, vector<8x32xi32>
    %reduce_sum3A_228 = arith.constant dense<0> : vector<32xi32>
    %reduce_sum3A_229 = vector.multi_reduction <add>, %select_n3A_227, %reduce_sum3A_228 [0] : vector<8x32xi32> to vector<32xi32>
    %broadcast_in_dim3A_230 = vector.shape_cast %reduce_sum3A_229 : vector<32xi32> to vector<1x32xi32>
    %jit3A_231 = arith.constant 0 : i32
    %broadcast_in_dim3A_232 = vector.shape_cast %add3A_118 : vector<8x1xi32> to vector<8x1xi32>
    %broadcast_in_dim3A_233 = vector.broadcast %broadcast_in_dim3A_232 : vector<8x1xi32> to vector<8x32xi32>
    %broadcast_in_dim3A_234 = vector.broadcast %jit3A_231 : i32 to vector<8x32xi32>
    %select_n3A_235 = arith.select %eq3A_206, %broadcast_in_dim3A_233, %broadcast_in_dim3A_234 : vector<8x32xi1>, vector<8x32xi32>
    %reduce_sum3A_236 = arith.constant dense<0> : vector<32xi32>
    %reduce_sum3A_237 = vector.multi_reduction <add>, %select_n3A_235, %reduce_sum3A_236 [0] : vector<8x32xi32> to vector<32xi32>
    %broadcast_in_dim3A_238 = vector.shape_cast %reduce_sum3A_237 : vector<32xi32> to vector<1x32xi32>
    %sub3A_239 = arith.subi %iota3A_192, %broadcast_in_dim3A_214 : vector<1x32xi32>
    %add3A_240 = arith.addi %broadcast_in_dim3A_222, %sub3A_239 : vector<1x32xi32>
    %ge3A = arith.constant 8 : i32
    %ge3A_241 = vector.broadcast %ge3A : i32 to vector<1x32xi32>
    %ge3A_242 = arith.cmpi sge, %broadcast_in_dim3A_203, %ge3A_241 : vector<1x32xi32>
    %jit3A_243 = arith.constant 15 : i32
    %broadcast_in_dim3A_244 = vector.broadcast %jit3A_243 : i32 to vector<1x32xi32>
    %select_n3A_245 = arith.select %ge3A_242, %broadcast_in_dim3A_244, %add3A_240 : vector<1x32xi1>, vector<1x32xi32>
    %mul3A = arith.constant 256 : i32
    %mul3A_246 = vector.broadcast %mul3A : i32 to vector<1x32xi32>
    %mul3A_247 = arith.muli %select_n3A_245, %mul3A_246 : vector<1x32xi32>
    %max3A = arith.maxsi %mul3A_247, %broadcast_in_dim3A_230 : vector<1x32xi32>
    %jit3A_248 = arith.constant 4096 : i32
    %broadcast_in_dim3A_249 = vector.broadcast %jit3A_248 : i32 to vector<1x32xi32>
    %select_n3A_250 = arith.select %ge3A_242, %broadcast_in_dim3A_249, %max3A : vector<1x32xi1>, vector<1x32xi32>
    %mul3A_251 = arith.constant 256 : i32
    %mul3A_252 = vector.broadcast %mul3A_251 : i32 to vector<1x32xi32>
    %mul3A_253 = arith.muli %select_n3A_245, %mul3A_252 : vector<1x32xi32>
    %add3A_254 = arith.constant 256 : i32
    %add3A_255 = vector.broadcast %add3A_254 : i32 to vector<1x32xi32>
    %add3A_256 = arith.addi %mul3A_253, %add3A_255 : vector<1x32xi32>
    %min3A = arith.minsi %add3A_256, %broadcast_in_dim3A_238 : vector<1x32xi32>
    %jit3A_257 = arith.constant 4096 : i32
    %broadcast_in_dim3A_258 = vector.broadcast %jit3A_257 : i32 to vector<1x32xi32>
    %select_n3A_259 = arith.select %ge3A_242, %broadcast_in_dim3A_258, %min3A : vector<1x32xi1>, vector<1x32xi32>
    %jit3A_260 = arith.constant 7 : i32
    %broadcast_in_dim3A_261 = vector.broadcast %jit3A_260 : i32 to vector<1x32xi32>
    %select_n3A_262 = arith.select %ge3A_242, %broadcast_in_dim3A_261, %broadcast_in_dim3A_203 : vector<1x32xi1>, vector<1x32xi32>
    %mul3A_263 = arith.constant 256 : i32
    %mul3A_264 = vector.broadcast %mul3A_263 : i32 to vector<1x32xi32>
    %mul3A_265 = arith.muli %select_n3A_245, %mul3A_264 : vector<1x32xi32>
    %eq3A_266 = arith.cmpi eq, %select_n3A_250, %mul3A_265 : vector<1x32xi32>
    %jit3A_267 = arith.constant 1 : i32
    %jit3A_268 = arith.constant 0 : i32
    %broadcast_in_dim3A_269 = vector.broadcast %jit3A_267 : i32 to vector<1x32xi32>
    %broadcast_in_dim3A_270 = vector.broadcast %jit3A_268 : i32 to vector<1x32xi32>
    %select_n3A_271 = arith.select %eq3A_266, %broadcast_in_dim3A_269, %broadcast_in_dim3A_270 : vector<1x32xi1>, vector<1x32xi32>
    %broadcast_in_dim3A_272 = arith.constant 0 : i32
    %broadcast_in_dim3A_273 = vector.broadcast %broadcast_in_dim3A_272 : i32 to vector<3x32xi32>
    %concatenate3A = tpu.concatenate %select_n3A_262, %select_n3A_245, %select_n3A_250, %select_n3A_259, %select_n3A_271, %broadcast_in_dim3A_273 in 0 : vector<1x32xi32>, vector<1x32xi32>, vector<1x32xi32>, vector<1x32xi32>, vector<1x32xi32>, vector<3x32xi32> -> vector<8x32xi32>
    %swap3A_274 = arith.constant 0 : index
    %swap3A_275 = arith.constant 0 : index
    %swap3A_276 = vector.load %arg5[%swap3A_274, %swap3A_275] : memref<8x32xi32, #tpu.memory_space<vmem>>, vector<8x32xi32>
    tpu.vector_store %arg5[%swap3A_274, %swap3A_275], %concatenate3A {strides = array<i32>} : memref<8x32xi32, #tpu.memory_space<vmem>>, vector<8x32xi32>,
    return
  }
}

module attributes {stable_mosaic.version = 14 : i64} {
  func.func @_grouped_body(%arg0: i32, %arg1: memref<24xi32, #tpu.memory_space<smem>>, %arg2: memref<24xi32, #tpu.memory_space<smem>>, %arg3: memref<24xi32, #tpu.memory_space<smem>>, %arg4: memref<24xi32, #tpu.memory_space<smem>>, %arg5: memref<24xi32, #tpu.memory_space<smem>>, %arg6: memref<256x2048xbf16, #tpu.memory_space<vmem>>, %arg7: memref<1x2048x2048xbf16, #tpu.memory_space<vmem>>, %arg8: memref<1x2048x1024xbf16, #tpu.memory_space<vmem>>, %arg9: memref<256x2048xbf16, #tpu.memory_space<vmem>>) attributes {dimension_semantics = [#tpu.dimension_semantics<arbitrary>], iteration_bounds = array<i64: 24>, scalar_prefetch = 5 : i64, scratch_operands = 0 : i64, tpu.core_type = #tpu.core_type<tc>, window_params = [{transform_indices = @transform_0, window_bounds = array<i64: 256, 2048>}, {transform_indices = @transform_1, window_bounds = array<i64: 1, 2048, 2048>}, {transform_indices = @transform_2, window_bounds = array<i64: 1, 2048, 1024>}, {transform_indices = @transform_3, window_bounds = array<i64: 256, 2048>}]} {
    %get3A = arith.index_cast %arg0 : i32 to index
    %get3A_0 = memref.load %arg3[%get3A] : memref<24xi32, #tpu.memory_space<smem>>
    %get3A_1 = arith.index_cast %arg0 : i32 to index
    %get3A_2 = memref.load %arg4[%get3A_1] : memref<24xi32, #tpu.memory_space<smem>>
    %get3A_3 = arith.index_cast %arg0 : i32 to index
    %get3A_4 = memref.load %arg5[%get3A_3] : memref<24xi32, #tpu.memory_space<smem>>
    %get3A_5 = arith.index_cast %arg0 : i32 to index
    %get3A_6 = memref.load %arg2[%get3A_5] : memref<24xi32, #tpu.memory_space<smem>>
    %get3A_7 = arith.constant 0 : index
    %get3A_8 = arith.constant 0 : index
    %get3A_9 = vector.load %arg6[%get3A_7, %get3A_8] : memref<256x2048xbf16, #tpu.memory_space<vmem>>, vector<256x2048xbf16>
    %get3A_10 = arith.constant 0 : index
    %get3A_11 = arith.constant 0 : index
    %get3A_12 = arith.constant 0 : index
    %get3A_13 = vector.load %arg7[%get3A_10, %get3A_11, %get3A_12] : memref<1x2048x2048xbf16, #tpu.memory_space<vmem>>, vector<1x2048x2048xbf16>
    %get3A_14 = vector.shape_cast %get3A_13 : vector<1x2048x2048xbf16> to vector<2048x2048xbf16>
    %dot_general3A = arith.constant dense<0.000000e+00> : vector<256x2048xf32>
    %dot_general3A_15 = tpu.matmul %get3A_9, %get3A_14, %dot_general3A {dimension_numbers = #tpu.dot_dimension_numbers<[1], [1], [0], [0], [0, 0, 1, 0], [], []>, transpose_lhs_hint = false} : vector<256x2048xbf16>, vector<2048x2048xbf16>, vector<256x2048xf32> -> vector<256x2048xf32>
    %slice3A = vector.extract_strided_slice %dot_general3A_15 {offsets = [0, 0], sizes = [256, 1024], strides = [1, 1]} : vector<256x2048xf32> to vector<256x1024xf32>
    %slice3A_16 = vector.extract_strided_slice %dot_general3A_15 {offsets = [0, 1024], sizes = [256, 1024], strides = [1, 1]} : vector<256x2048xf32> to vector<256x1024xf32>
    %logistic3A = arith.negf %slice3A : vector<256x1024xf32>
    %logistic3A_17 = math.exp %logistic3A : vector<256x1024xf32>
    %logistic3A_18 = arith.constant 1.000000e+00 : f32
    %logistic3A_19 = vector.broadcast %logistic3A_18 : f32 to vector<256x1024xf32>
    %logistic3A_20 = arith.addf %logistic3A_19, %logistic3A_17 : vector<256x1024xf32>
    %logistic3A_21 = arith.divf %logistic3A_19, %logistic3A_20 : vector<256x1024xf32>
    %mul3A = arith.mulf %slice3A, %logistic3A_21 : vector<256x1024xf32>
    %mul3A_22 = arith.mulf %mul3A, %slice3A_16 : vector<256x1024xf32>
    %convert_element_type3A = arith.truncf %mul3A_22 : vector<256x1024xf32> to vector<256x1024xbf16>
    %get3A_23 = arith.constant 0 : index
    %get3A_24 = arith.constant 0 : index
    %get3A_25 = arith.constant 0 : index
    %get3A_26 = vector.load %arg8[%get3A_23, %get3A_24, %get3A_25] : memref<1x2048x1024xbf16, #tpu.memory_space<vmem>>, vector<1x2048x1024xbf16>
    %get3A_27 = vector.shape_cast %get3A_26 : vector<1x2048x1024xbf16> to vector<2048x1024xbf16>
    %dot_general3A_28 = arith.constant dense<0.000000e+00> : vector<256x2048xf32>
    %dot_general3A_29 = tpu.matmul %convert_element_type3A, %get3A_27, %dot_general3A_28 {dimension_numbers = #tpu.dot_dimension_numbers<[1], [1], [0], [0], [0, 0, 1, 0], [], []>, transpose_lhs_hint = false} : vector<256x1024xbf16>, vector<2048x1024xbf16>, vector<256x2048xf32> -> vector<256x2048xf32>
    %convert_element_type3A_30 = arith.truncf %dot_general3A_29 : vector<256x2048xf32> to vector<256x2048xbf16>
    %mul3A_31 = arith.constant 256 : i32
    %mul3A_32 = arith.muli %get3A_6, %mul3A_31 : i32
    %iota3A = tpu.iota {dimensions = array<i32: 0>} : vector<256x1xi32>
    %add3A = vector.broadcast %mul3A_32 : i32 to vector<256x1xi32>
    %add3A_33 = arith.addi %add3A, %iota3A : vector<256x1xi32>
    %ge3A = vector.broadcast %get3A_0 : i32 to vector<256x1xi32>
    %ge3A_34 = arith.cmpi sge, %add3A_33, %ge3A : vector<256x1xi32>
    %lt3A = vector.broadcast %get3A_2 : i32 to vector<256x1xi32>
    %lt3A_35 = arith.cmpi slt, %add3A_33, %lt3A : vector<256x1xi32>
    %and3A = arith.andi %ge3A_34, %lt3A_35 : vector<256x1xi1>
    %eq3A = arith.constant 1 : i32
    %eq3A_36 = arith.cmpi eq, %get3A_4, %eq3A : i32
    %convert_element_type3A_37 = arith.extui %eq3A_36 : i1 to i32
    %cond3A = arith.constant 0 : i32
    %cond3A_38 = arith.cmpi ne, %convert_element_type3A_37, %cond3A : i32
    scf.if %cond3A_38 {
      %broadcast_in_dim3A = arith.constant 0.000000e+00 : bf16
      %broadcast_in_dim3A_44 = vector.broadcast %broadcast_in_dim3A : bf16 to vector<256x2048xbf16>
      %broadcast_in_dim3A_45 = vector.shape_cast %and3A : vector<256x1xi1> to vector<256x1xi1>
      %broadcast_in_dim3A_46 = vector.broadcast %broadcast_in_dim3A_45 : vector<256x1xi1> to vector<256x2048xi1>
      %select_n3A = arith.select %broadcast_in_dim3A_46, %convert_element_type3A_30, %broadcast_in_dim3A_44 : vector<256x2048xi1>, vector<256x2048xbf16>
      %swap3A = arith.constant 0 : index
      %swap3A_47 = arith.constant 0 : index
      %swap3A_48 = vector.load %arg9[%swap3A, %swap3A_47] : memref<256x2048xbf16, #tpu.memory_space<vmem>>, vector<256x2048xbf16>
      tpu.vector_store %arg9[%swap3A, %swap3A_47], %select_n3A {strides = array<i32>} : memref<256x2048xbf16, #tpu.memory_space<vmem>>, vector<256x2048xbf16>,
    } else {
    }
    %eq3A_39 = arith.constant 0 : i32
    %eq3A_40 = arith.cmpi eq, %get3A_4, %eq3A_39 : i32
    %convert_element_type3A_41 = arith.extui %eq3A_40 : i1 to i32
    %cond3A_42 = arith.constant 0 : i32
    %cond3A_43 = arith.cmpi ne, %convert_element_type3A_41, %cond3A_42 : i32
    scf.if %cond3A_43 {
      %get3A_44 = arith.constant 0 : index
      %get3A_45 = arith.constant 0 : index
      %get3A_46 = vector.load %arg9[%get3A_44, %get3A_45] : memref<256x2048xbf16, #tpu.memory_space<vmem>>, vector<256x2048xbf16>
      %broadcast_in_dim3A = vector.shape_cast %and3A : vector<256x1xi1> to vector<256x1xi1>
      %broadcast_in_dim3A_47 = vector.broadcast %broadcast_in_dim3A : vector<256x1xi1> to vector<256x2048xi1>
      %select_n3A = arith.select %broadcast_in_dim3A_47, %convert_element_type3A_30, %get3A_46 : vector<256x2048xi1>, vector<256x2048xbf16>
      %swap3A = arith.constant 0 : index
      %swap3A_48 = arith.constant 0 : index
      %swap3A_49 = vector.load %arg9[%swap3A, %swap3A_48] : memref<256x2048xbf16, #tpu.memory_space<vmem>>, vector<256x2048xbf16>
      tpu.vector_store %arg9[%swap3A, %swap3A_48], %select_n3A {strides = array<i32>} : memref<256x2048xbf16, #tpu.memory_space<vmem>>, vector<256x2048xbf16>,
    } else {
    }
    return
  }
  func.func @transform_0(%arg0: i32, %arg1: memref<24xi32, #tpu.memory_space<smem>>, %arg2: memref<24xi32, #tpu.memory_space<smem>>, %arg3: memref<24xi32, #tpu.memory_space<smem>>, %arg4: memref<24xi32, #tpu.memory_space<smem>>, %arg5: memref<24xi32, #tpu.memory_space<smem>>) -> (i32, i32) {
    %get3A = arith.index_cast %arg0 : i32 to index
    %get3A_0 = memref.load %arg2[%get3A] : memref<24xi32, #tpu.memory_space<smem>>
    %c0_i32 = arith.constant 0 : i32
    %c0_i32_1 = arith.constant 0 : i32
    return %get3A_0, %c0_i32 : i32, i32
  }
  func.func @transform_1(%arg0: i32, %arg1: memref<24xi32, #tpu.memory_space<smem>>, %arg2: memref<24xi32, #tpu.memory_space<smem>>, %arg3: memref<24xi32, #tpu.memory_space<smem>>, %arg4: memref<24xi32, #tpu.memory_space<smem>>, %arg5: memref<24xi32, #tpu.memory_space<smem>>) -> (i32, i32, i32) {
    %get3A = arith.index_cast %arg0 : i32 to index
    %get3A_0 = memref.load %arg1[%get3A] : memref<24xi32, #tpu.memory_space<smem>>
    %c0_i32 = arith.constant 0 : i32
    %c0_i32_1 = arith.constant 0 : i32
    %c0_i32_2 = arith.constant 0 : i32
    return %get3A_0, %c0_i32, %c0_i32_1 : i32, i32, i32
  }
  func.func @transform_2(%arg0: i32, %arg1: memref<24xi32, #tpu.memory_space<smem>>, %arg2: memref<24xi32, #tpu.memory_space<smem>>, %arg3: memref<24xi32, #tpu.memory_space<smem>>, %arg4: memref<24xi32, #tpu.memory_space<smem>>, %arg5: memref<24xi32, #tpu.memory_space<smem>>) -> (i32, i32, i32) {
    %get3A = arith.index_cast %arg0 : i32 to index
    %get3A_0 = memref.load %arg1[%get3A] : memref<24xi32, #tpu.memory_space<smem>>
    %c0_i32 = arith.constant 0 : i32
    %c0_i32_1 = arith.constant 0 : i32
    %c0_i32_2 = arith.constant 0 : i32
    return %get3A_0, %c0_i32, %c0_i32_1 : i32, i32, i32
  }
  func.func @transform_3(%arg0: i32, %arg1: memref<24xi32, #tpu.memory_space<smem>>, %arg2: memref<24xi32, #tpu.memory_space<smem>>, %arg3: memref<24xi32, #tpu.memory_space<smem>>, %arg4: memref<24xi32, #tpu.memory_space<smem>>, %arg5: memref<24xi32, #tpu.memory_space<smem>>) -> (i32, i32) {
    %get3A = arith.index_cast %arg0 : i32 to index
    %get3A_0 = memref.load %arg2[%get3A] : memref<24xi32, #tpu.memory_space<smem>>
    %c0_i32 = arith.constant 0 : i32
    %c0_i32_1 = arith.constant 0 : i32
    return %get3A_0, %c0_i32 : i32, i32
  }
}

module attributes {stable_mosaic.version = 14 : i64} {
  func.func @_combine_body(%arg0: i32, %arg1: memref<256x2048xf32, #tpu.memory_space<vmem>>, %arg2: memref<4096x2048xbf16, #tpu.memory_space<vmem>>, %arg3: memref<256x1xi32, #tpu.memory_space<vmem>>, %arg4: memref<256x1xi32, #tpu.memory_space<vmem>>, %arg5: memref<256x1xf32, #tpu.memory_space<vmem>>, %arg6: memref<256x1xf32, #tpu.memory_space<vmem>>, %arg7: memref<256x2048xf32, #tpu.memory_space<vmem>>) attributes {dimension_semantics = [#tpu.dimension_semantics<arbitrary>], iteration_bounds = array<i64: 8>, scalar_prefetch = 0 : i64, scratch_operands = 0 : i64, tpu.core_type = #tpu.core_type<tc>, window_params = [{transform_indices = @transform_0, window_bounds = array<i64: 256, 2048>}, {pipeline_mode = #tpu.pipeline_mode<synchronous>, transform_indices = @transform_1, window_bounds = array<i64: 4096, 2048>}, {transform_indices = @transform_2, window_bounds = array<i64: 256, 1>}, {transform_indices = @transform_3, window_bounds = array<i64: 256, 1>}, {transform_indices = @transform_4, window_bounds = array<i64: 256, 1>}, {transform_indices = @transform_5, window_bounds = array<i64: 256, 1>}, {transform_indices = @transform_6, window_bounds = array<i64: 256, 2048>}]} {
    %iota3A = tpu.iota {dimensions = array<i32: 1>} : vector<256x4096xi32>
    %get3A = arith.constant 0 : index
    %get3A_0 = arith.constant 0 : index
    %get3A_1 = vector.load %arg3[%get3A, %get3A_0] : memref<256x1xi32, #tpu.memory_space<vmem>>, vector<256x1xi32>
    %eq3A = vector.broadcast %get3A_1 : vector<256x1xi32> to vector<256x4096xi32>
    %eq3A_2 = arith.cmpi eq, %iota3A, %eq3A : vector<256x4096xi32>
    %get3A_3 = arith.constant 0 : index
    %get3A_4 = arith.constant 0 : index
    %get3A_5 = vector.load %arg5[%get3A_3, %get3A_4] : memref<256x1xf32, #tpu.memory_space<vmem>>, vector<256x1xf32>
    %jit3A = arith.constant 0.000000e+00 : f32
    %broadcast_in_dim3A = vector.shape_cast %get3A_5 : vector<256x1xf32> to vector<256x1xf32>
    %broadcast_in_dim3A_6 = vector.broadcast %broadcast_in_dim3A : vector<256x1xf32> to vector<256x4096xf32>
    %broadcast_in_dim3A_7 = vector.broadcast %jit3A : f32 to vector<256x4096xf32>
    %select_n3A = arith.select %eq3A_2, %broadcast_in_dim3A_6, %broadcast_in_dim3A_7 : vector<256x4096xi1>, vector<256x4096xf32>
    %get3A_8 = arith.constant 0 : index
    %get3A_9 = arith.constant 0 : index
    %get3A_10 = vector.load %arg4[%get3A_8, %get3A_9] : memref<256x1xi32, #tpu.memory_space<vmem>>, vector<256x1xi32>
    %eq3A_11 = vector.broadcast %get3A_10 : vector<256x1xi32> to vector<256x4096xi32>
    %eq3A_12 = arith.cmpi eq, %iota3A, %eq3A_11 : vector<256x4096xi32>
    %get3A_13 = arith.constant 0 : index
    %get3A_14 = arith.constant 0 : index
    %get3A_15 = vector.load %arg6[%get3A_13, %get3A_14] : memref<256x1xf32, #tpu.memory_space<vmem>>, vector<256x1xf32>
    %jit3A_16 = arith.constant 0.000000e+00 : f32
    %broadcast_in_dim3A_17 = vector.shape_cast %get3A_15 : vector<256x1xf32> to vector<256x1xf32>
    %broadcast_in_dim3A_18 = vector.broadcast %broadcast_in_dim3A_17 : vector<256x1xf32> to vector<256x4096xf32>
    %broadcast_in_dim3A_19 = vector.broadcast %jit3A_16 : f32 to vector<256x4096xf32>
    %select_n3A_20 = arith.select %eq3A_12, %broadcast_in_dim3A_18, %broadcast_in_dim3A_19 : vector<256x4096xi1>, vector<256x4096xf32>
    %add3A = arith.addf %select_n3A, %select_n3A_20 : vector<256x4096xf32>
    %convert_element_type3A = arith.truncf %add3A : vector<256x4096xf32> to vector<256x4096xbf16>
    %get3A_21 = arith.constant 0 : index
    %get3A_22 = arith.constant 0 : index
    %get3A_23 = vector.load %arg2[%get3A_21, %get3A_22] : memref<4096x2048xbf16, #tpu.memory_space<vmem>>, vector<4096x2048xbf16>
    %dot_general3A = arith.constant dense<0.000000e+00> : vector<256x2048xf32>
    %dot_general3A_24 = tpu.matmul %convert_element_type3A, %get3A_23, %dot_general3A {dimension_numbers = #tpu.dot_dimension_numbers<[1], [0], [0], [1], [0, 0, 1, 1], [], []>, transpose_lhs_hint = false} : vector<256x4096xbf16>, vector<4096x2048xbf16>, vector<256x2048xf32> -> vector<256x2048xf32>
    %get3A_25 = arith.constant 0 : index
    %get3A_26 = arith.constant 0 : index
    %get3A_27 = vector.load %arg1[%get3A_25, %get3A_26] : memref<256x2048xf32, #tpu.memory_space<vmem>>, vector<256x2048xf32>
    %add3A_28 = arith.addf %get3A_27, %dot_general3A_24 : vector<256x2048xf32>
    %swap3A = arith.constant 0 : index
    %swap3A_29 = arith.constant 0 : index
    %swap3A_30 = vector.load %arg7[%swap3A, %swap3A_29] : memref<256x2048xf32, #tpu.memory_space<vmem>>, vector<256x2048xf32>
    tpu.vector_store %arg7[%swap3A, %swap3A_29], %add3A_28 {strides = array<i32>} : memref<256x2048xf32, #tpu.memory_space<vmem>>, vector<256x2048xf32>,
    return
  }
  func.func @transform_0(%arg0: i32) -> (i32, i32) {
    %c0_i32 = arith.constant 0 : i32
    %c0_i32_0 = arith.constant 0 : i32
    return %arg0, %c0_i32 : i32, i32
  }
  func.func @transform_1(%arg0: i32) -> (i32, i32) {
    %c0_i32 = arith.constant 0 : i32
    %c0_i32_0 = arith.constant 0 : i32
    %c0_i32_1 = arith.constant 0 : i32
    return %c0_i32, %c0_i32_0 : i32, i32
  }
  func.func @transform_2(%arg0: i32) -> (i32, i32) {
    %c0_i32 = arith.constant 0 : i32
    %c0_i32_0 = arith.constant 0 : i32
    return %arg0, %c0_i32 : i32, i32
  }
  func.func @transform_3(%arg0: i32) -> (i32, i32) {
    %c0_i32 = arith.constant 0 : i32
    %c0_i32_0 = arith.constant 0 : i32
    return %arg0, %c0_i32 : i32, i32
  }
  func.func @transform_4(%arg0: i32) -> (i32, i32) {
    %c0_i32 = arith.constant 0 : i32
    %c0_i32_0 = arith.constant 0 : i32
    return %arg0, %c0_i32 : i32, i32
  }
  func.func @transform_5(%arg0: i32) -> (i32, i32) {
    %c0_i32 = arith.constant 0 : i32
    %c0_i32_0 = arith.constant 0 : i32
    return %arg0, %c0_i32 : i32, i32
  }
  func.func @transform_6(%arg0: i32) -> (i32, i32) {
    %c0_i32 = arith.constant 0 : i32
    %c0_i32_0 = arith.constant 0 : i32
    return %arg0, %c0_i32 : i32, i32
  }
}

</mosaic_0001>

<sc_bundles>
// kernel: kernel.9.cloned.1.call-start
scs
__scs_entry_jumppad:
0x0: {  	(pc) =	sbr.rel $0x88, $3  }
0x1: {  	(tag) =	ssettag $0x0;
	lr =	simm.s32 $0x1  }
0x2: {  	[smem:$0x3F97] =	sst lr;
	_ =	strace $0xD0000000  }
0x3: {  	_ = 	snop  }
0x4: {  	_ = 	snop  }
0x5: {  	_ = 	snop  }
0x6: {  	_ = 	snop  }
0x7: {  	_ = 	snop  }
__scs_overlays_trampoline_lowered:
0x8: {  	[smem:$0x3FA6] =	sst s0  }
0x9: {  	[smem:$0x3FA7] =	sst s1  }
0xa: {  	[smem:$0x3FA8] =	sst s2  }
0xb: {  	[smem:$0x3FA9] =	sst s3  }
0xc: {  	[smem:$0x3FAA] =	sst s4  }
0xd: {  	[smem:$0x3FAB] =	sst s5  }
0xe: {  	[smem:$0x3FAC] =	sst s6  }
0xf: {  	[smem:$0x3FAD] =	sst s7  }
0x10: {  	[smem:$0x3FAE] =	sst s8  }
0x11: {  	[smem:$0x3FAF] =	sst s9;
	s0 =	simm.s32 @!p0 $0x0  }
0x12: {  	s1 =	sld [smem:$0x3F95];
	s0 =	simm.s32 @p0 $0x1  }
0x13: {  	[smem:$0x3FB0] =	sst s0;
	s0 =	simm.s32 @!p1 $0x0  }
0x14: {  	s2 =	sld [smem:$0x3F94];
	s0 =	simm.s32 @p1 $0x1  }
0x15: {  	[smem:$0x3FB1] =	sst s0;
	s0 =	simm.s32 @!p2 $0x0  }
0x16: {  	s3 =	sld [smem:$0x3FDB];
	s0 =	simm.s32 @p2 $0x1  }
0x17: {  	s4 =	simm.s32 $0x1BF5;
	[smem:$0x3FB3] =	sst s0  }
0x18: {  	s0 =	sld [smem:$0x3F96];
	_ =	swait.ge [sflag:s4], $0x0  }
0x19: {  	s7 =	sld [smem:$0x3F97]  }
0x1a: {  	s8 =	sadd.s32 $0xFFFFE003, lr  }
0x1b: {  	s9 =	sadd.s32 $0xFFFFFEF7, lr;
	s5 =	simm.s32 $0xFFFFFFFF;
	p2 =	slt.u32 s8, $0xFFFFF086  }
0x1c: {  	p1 =	slt.u32 s9, $0xF7A;
	s5 =	simm.s32 @!p2 $0x0  }
0x1d: {  	s5 =	simm.s32 @p1 $0x1;
	p0 =	seq.s32 s7, s2  }
0x1e: {  	s7 =	smul.u32 @!p0 $0xF7A, s2;
	p2 =	seq.s32 @!p0 s5, $0x0  }
0x1f: {  	s9 =	smul.u32 $0xF7A, s1;
	s8 =	simm.s32 @!p0 $0x1BF5;
	p2 =	por !p2, p0  }
0x20: {  	[sflag:s8] =	ssyncset.s32 @!p0 $0xFFFFF086;
	s6 =	sadd.s32 @!p0 s3, s7;
	s7 =	simm.s32 @!p0 $0x108  }
0x21: {  	s3 =	sadd.s32 s3, s9;
	s6 =	sadd.s32 @!p0 $0x88, s6;
	s7 =	simm.s32 @p2 $0x1082  }
0x22: {  	[simem:s7], [sflag:s8] =	dma.local @!p0 [hbm:s6], $0xF7A  }
0x23: {  	s9 =	sor.u32 $0xD0000000, s2;
	s6 =	simm.s32 $0x108;
	_ =	swait.ge @!p0 [sflag:s8], $0x0  }
0x24: {  	s3 =	sadd.s32 $0x88, s3;
	s6 =	simm.s32 @!p1 $0x1082;
	[sflag:s4] =	ssyncset.s32 $0xFFFFF086  }
0x25: {  	[simem:s6], [sflag:s4] =	dma.local [hbm:s3], $0xF7A  }
0x26: {  	[smem:$0x3F97] =	sst s1;
	(tag) =	ssettag s2;
	_ =	strace s9  }
0x27: {  	s1 =	sld [smem:$0x3FA7]  }
0x28: {  	s2 =	sld [smem:$0x3FA8]  }
0x29: {  	s4 =	sld [smem:$0x3FAA]  }
0x2a: {  	p0 =	seq.s32 s5, $0x0;
	s5 =	sld [smem:$0x3FAB]  }
0x2b: {  	s6 =	sld [smem:$0x3FAC]  }
0x2c: {  	s7 =	sld [smem:$0x3FAD]  }
0x2d: {  	s3 =	simm.s32 $0x108;
	s8 =	sld [smem:$0x3FAE]  }
0x2e: {  	s3 =	simm.s32 @!p0 $0x1082;
	s9 =	sld [smem:$0x3FAF]  }
0x2f: {  	lr =	sadd.s32 s0, s3;
	s0 =	sld [smem:$0x3FA6]  }
0x30: {  	s3 =	sld [smem:$0x3FA9]  }
0x31: {  	[smem:$0x3FB2] =	sst s10  }
0x32: {  	s10 =	sld [smem:$0x3FB0];
	_ =	sdelay $0x3  }
0x33: {  	p0 =	seq.s32 s10, $0x1;
	s10 =	sld [smem:$0x3FB2];
	_ =	sdelay $0x3  }
0x34: {  	[smem:$0x3FB2] =	sst s10  }
0x35: {  	s10 =	sld [smem:$0x3FB1];
	_ =	sdelay $0x3  }
0x36: {  	p1 =	seq.s32 s10, $0x1;
	s10 =	sld [smem:$0x3FB2];
	_ =	sdelay $0x3  }
0x37: {  	[smem:$0x3FB2] =	sst s10  }
0x38: {  	s10 =	sld [smem:$0x3FB3]  }
0x39: {  	_ = 	snop;
	(pc) =	sbr.ind lr, $3  }
0x3a: {  	_ = 	snop  }
0x3b: {  	_ = 	snop  }
0x3c: {  	p2 =	seq.s32 s10, $0x1;
	s10 =	sld [smem:$0x3FB2]  }
0x3d: {  	_ =	shalt  }
0x3e: {  	_ =	shalt  }
0x3f: {  	_ =	shalt  }
0x40: {  	_ =	shalt  }
0x41: {  	_ =	shalt  }
0x42: {  	_ =	shalt  }
0x43: {  	_ =	shalt  }
0x44: {  	_ =	shalt  }
0x45: {  	_ =	shalt  }
0x46: {  	_ =	shalt  }
0x47: {  	_ =	shalt  }
0x48: {  	_ =	shalt  }
0x49: {  	_ =	shalt  }
0x4a: {  	_ =	shalt  }
0x4b: {  	_ =	shalt  }
0x4c: {  	_ =	shalt  }
0x4d: {  	_ =	shalt  }
0x4e: {  	_ =	shalt  }
0x4f: {  	_ =	shalt  }
0x50: {  	_ =	shalt  }
0x51: {  	_ =	shalt  }
0x52: {  	_ =	shalt  }
0x53: {  	_ =	shalt  }
0x54: {  	_ =	shalt  }
0x55: {  	_ =	shalt  }
0x56: {  	_ =	shalt  }
0x57: {  	_ =	shalt  }
0x58: {  	_ =	shalt  }
0x59: {  	_ =	shalt  }
0x5a: {  	_ =	shalt  }
0x5b: {  	_ =	shalt  }
0x5c: {  	_ =	shalt  }
0x5d: {  	_ =	shalt  }
0x5e: {  	_ =	shalt  }
0x5f: {  	_ =	shalt  }
0x60: {  	_ =	shalt  }
0x61: {  	_ =	shalt  }
0x62: {  	_ =	shalt  }
0x63: {  	_ =	shalt  }
0x64: {  	_ =	shalt  }
0x65: {  	_ =	shalt  }
0x66: {  	_ =	shalt  }
0x67: {  	_ =	shalt  }
0x68: {  	_ =	shalt  }
0x69: {  	_ =	shalt  }
0x6a: {  	_ =	shalt  }
0x6b: {  	_ =	shalt  }
0x6c: {  	_ =	shalt  }
0x6d: {  	_ =	shalt  }
0x6e: {  	_ =	shalt  }
0x6f: {  	_ =	shalt  }
0x70: {  	_ =	shalt  }
0x71: {  	_ =	shalt  }
0x72: {  	_ =	shalt  }
0x73: {  	_ =	shalt  }
0x74: {  	_ =	shalt  }
0x75: {  	_ =	shalt  }
0x76: {  	_ =	shalt  }
0x77: {  	_ =	shalt  }
0x78: {  	_ =	shalt  }
0x79: {  	_ =	shalt  }
0x7a: {  	_ =	shalt  }
0x7b: {  	_ =	shalt  }
0x7c: {  	_ =	shalt  }
0x7d: {  	_ =	shalt  }
0x7e: {  	_ =	shalt  }
0x7f: {  	_ =	shalt  }
0x80: {  	_ =	shalt  }
0x81: {  	_ =	shalt  }
0x82: {  	_ =	shalt  }
0x83: {  	_ =	shalt  }
0x84: {  	_ =	shalt  }
0x85: {  	_ =	shalt  }
0x86: {  	_ =	shalt  }
0x87: {  	_ =	shalt  }
.Lfunc_end0:
.L_simem_size_0:
called_computation.1_lowered:
.L_overlay_start_0:
0x88: {  	s2 =	sld [smem:$0x3FD9]  }
0x89: {  	s3 =	sld [smem:$0x3FFE];
	_ =	sdelay $0x1  }
0x8a: {  	s1 =	srdreg.scid  }
0x8b: {  	s0 =	sand.u32 $0x1, s1  }
0x8c: {  	s17 =	sshll.u32 s0, $0xA;
	s2 =	sadd.s32 s3, s2  }
0x8d: {  	s2 =	sadd.s32 s2, s17  }
0x8e: {  	[smem:$0x3FBE] =	sst s2  }
0x8f: {  	_ = 	snop  }
0x90: {  	s2 =	sld [smem:$0x3FD0];
	(tm) =	ssettm $0x1  }
0x91: {  	s18 =	sld [smem:$0x3FFB];
	_ =	sdelay $0x3  }
0x92: {  	_ =	strace s18  }
0x93: {  	s3 =	sld [smem:$0x3FFC];
	_ =	sdelay $0x3  }
0x94: {  	_ =	strace s3  }
0x95: {  	s3 =	sld [smem:$0x3FFD];
	_ =	sdelay $0x3  }
0x96: {  	_ =	strace s3  }
0x97: {  	_ =	strace $0x8FFFFFFF  }
0x98: {  	s19 =	sld [smem:$0x3FDB];
	_ =	sdelay $0x1  }
0x99: {  	s4 =	simm.s32 $_scs_section_size  }
0x9a: {  	s5 =	simm.s32 $_size__tile_overlayer_lowered;
	s6 =	simm.s32 $_tile_overlayer_lowered  }
0x9b: {  	s22 =	simm.s32 $0x1BFF;
	s21 =	sshll.u32 s6, $0x1;
	s3 =	sadd.s32 s4, s19  }
0x9c: {  	s7 =	simm.s32 $0x0;
	s20 =	sshll.u32 s5, $0x1;
	s5 =	sadd.s32 s21, s3  }
0x9d: {  	[timem:s7], [sflag:s22] =	dma.local [hbm:s5], s20  }
0x9e: {  	_ =	swait.ge [sflag:s22], s20  }
0x9f: {  	s4 =	ssub.s32 $0x0, s20;
	[sflag:s22] =	ssyncset.done $0x0  }
0xa0: {  	[sflag:s22] =	ssyncadd.s32 s4;
	_ =	sdelay $0x1  }
0xa1: {  	s23 =	simm.s32 $0x1B8B  }
0xa2: {  	_ =	swait.ge [sflag:s23], $0x1  }
0xa3: {  	[sflag:s23] =	ssyncset.done $0x0  }
0xa4: {  	s25 =	simm.s32 $0x1B8E;
	s24 =	sld [smem:$0x3FFE];
	[sflag:s23] =	ssyncadd.s32 $0xFFFFFFFF  }
0xa5: {  	s26 =	simm.s32 $execute0_lowered;
	[smem:$0x3FD2] =	sst s25  }
0xa6: {  	s5 =	sshll.u32 s26, $0x1;
	_ =	strace $0x80000046;
	[dreg:$0x1] =	wrdreg $0xFFFFFFFF  }
0xa7: {  	s28 =	simm.s32 $_size_execute0_lowered;
	s3 =	sadd.s32 s3, s5;
	[dreg:$0x0] =	wrdreg $0x0  }
0xa8: {  	s5 =	sshll.u32 s28, $0x1;
	[dreg:$0x2] =	wrdreg s3  }
0xa9: {  	[dreg:$0x3] =	wrdreg s5  }
0xaa: {  	[dreg:$0x4] =	wrdreg $0xC0  }
0xab: {  	_ =	task [dreg:s7], $0x5FFFF  }
0xac: {  	[dreg:$0x1] =	wrdreg $0xFFFFFFFF  }
0xad: {  	[dreg:$0x0] =	wrdreg $0x60  }
0xae: {  	[dreg:$0x2] =	wrdreg s2  }
0xaf: {  	[dreg:$0x3] =	wrdreg s24  }
0xb0: {  	[dreg:$0x4] =	wrdreg $0x9  }
0xb1: {  	_ =	task.clear_ibuf [dreg:s7], $0x5FFFF;
	_ =	strace $0x90000046  }
0xb2: {  	s29 =	simm.s32 $0x9;
	_ =	strace $0x80000048  }
0xb3: {  	_ =	swait.ge [sflag:s29], $0x1  }
0xb4: {  	[sflag:s29] =	ssyncadd.s32 $0xFFFFFFFF  }
0xb5: {  	_ =	strace $0x90000048  }
0xb6: {  	_ =	sfence  }
0xb7: {  	s30 =	sld [smem:$0x0];
	_ =	sdelay $0x2  }
0xb8: {  	s31 =	sshll.u32 s1, $0xD;
	s1 =	sshrl.u32 s1, $0x2  }
0xb9: {  	s3 =	sand.u32 $0x4000, s31;
	s1 =	sadd.s32 s1, s30  }
0xba: {  	s0 =	sor.u32 s3, s0;
	s1 =	sshll.u32 s1, $0x11  }
0xbb: {  	s0 =	sor.u32 s1, s0  }
0xbc: {  	s0 =	sadd.s32 $0x8F2B, s0  }
0xbd: {  	[sflag:s0] =	ssyncadd.remote.s32 $0x1  }
0xbe: {  	_ =	sfence.sel $0xFFFF  }
0xbf: {  	[dreg:$0x0] =	wrdreg $0xFFFFFFFF;
	(pc) =	sbr.abs _section_cstart, $3  }
0xc0: {  	[dreg:$0x1] =	wrdreg $0xFFFFFFFF  }
0xc1: {  	_ =	task.clear_ibuf [dreg:s7], $0x2FFFF;
	_ =	strace $0x9FFFFFFF  }
0xc2: {  	(tm) =	ssettm $0x7FFFFFFF  }
0xc3: {  	_ =	shalt  }
tec
execute0_lowered:
.L_overlay_start_1:
0x0: {  	(tag) =	ssettag $0x1  }
0x1: {  	s0 =	srdreg.scid;
	s1 =	rddreg [dreg:$0x0]  }
0x2: {  	s2 =	stileid.u32;
	s6 =	rddreg [dreg:$0x1];
	s26 =	simm.s32 $0x80  }
0x3: {  	s8 =	simm.s32 $0x2;
	s18 =	simm.s32 $0x1;
	s21 =	simm.s32 $0x1900  }
0x4: {  	s22 =	simm.s32 $0x2100;
	s23 =	simm.s32 $0x2900;
	s24 =	simm.s32 $0x3100  }
0x5: {  	s28 =	simm.s32 $0x4900;
	s29 =	simm.s32 $0x5100;
	s30 =	simm.s32 $0x5900  }
0x6: {  	s31 =	simm.s32 $0x6100;
	s10 =	simm.s32 $0x7900;
	s11 =	simm.s32 $0x8100  }
0x7: {  	s12 =	simm.s32 $0x8900;
	s13 =	simm.s32 $0x9100;
	s14 =	simm.s32 $0x9900  }
0x8: {  	s15 =	simm.s32 $0xA100;
	s16 =	simm.s32 $0xA900;
	s17 =	simm.s32 $0xB100  }
0x9: {  	s0 =	sand.u32 $0x1, s0;
	s3 =	sshll.u32 s2, $0x7;
	s2 =	simm.s32 $0x0  }
0xa: {  	s4 =	sshll.u32 s0, $0x6;
	[smem:$0x7FF] =	sst s2;
	s0 =	ssub.s32 $0x2, s0  }
0xb: {  	s4 =	sor.u32 s4, s3;
	_ =	strace $0x80000047;
	s25 =	sshrl.u32 s0, $0x1  }
0xc: {  	[dreg:$0x6] =	wrdreg s26;
	s3 =	sshrl.u32 s4, $0x3;
	s4 =	sshll.u32 s4, $0x7  }
0xd: {  	s26 =	simm.s32 $0x4100;
	s5 =	sadd.s32 s3, s6;
	s1 =	sadd.s32 s1, s4  }
0xe: {  	s0 =	ssub.s32 s0, s25;
	s7 =	sadd.s32 $0xA2E00, s5;
	[dreg:$0x5] =	wrdreg s1  }
0xf: {  	v2 =	vlaneseq.u32;
	s25 =	simm.s32 $0x3900;
	s5 =	sadd.s32 $0xA3000, s5;
	[dreg:$0x3] =	wrdreg s7  }
0x10: {  	vm0 =	vmmov $0xffff;
	v1 =	vshrl.u32 v2, $0x3;
	s3 =	sadd.s32 $0xA3200, s6;
	s4 =	sadd.s32 $0xA3300, s6;
	[dreg:$0x4] =	wrdreg s5  }
0x11: {  	v0 =	vand.u32 $0x7, v2;
	v2 =	vor.u32 $0x8, v2;
	v1 =	vmul.u32 $0x8, v1;
	s5 =	sadd.s32 $0xA3400, s6;
	s6 =	sadd.s32 $0xA3500, s6;
	s7 =	smax.u32 s0, $0x1  }
.LBB2_1:
0x12: {  	s19 =	rddreg [dreg:$0x3]  }
0x13: {  	[tilespmem:s2], [sflag:$0x2] =	stream.linear.gather [hbm4b:s19+s2], $0x40, $0x38;
	[tilespmem:$0x10100] =	vst v63  }
0x14: {  	_ =	swait.ge [sflag:s8], $0x40  }
0x15: {  	s1 =	rddreg [dreg:$0x4];
	[sflag:s8] =	ssyncset.done $0x0  }
0x16: {  	s20 =	rddreg [dreg:$0x6];
	[sflag:s8] =	ssyncadd.s32 $0xFFFFFFC0  }
0x17: {  	[tilespmem:s20], [sflag:$0x2] =	stream.linear.gather [hbm4b:s1+s2], $0x40, $0x38;
	[tilespmem:$0x10100] =	vst v63  }
0x18: {  	_ =	swait.ge [sflag:s8], $0x40  }
0x19: {  	[sflag:s8] =	ssyncset.done $0x0  }
0x1a: {  	s0 =	simm.s32 $0x100;
	s9 =	rddreg [dreg:$0x5];
	[sflag:s8] =	ssyncadd.s32 $0xFFFFFFC0  }
0x1b: {  	[tilespmem:s0], [sflag:$0x2] =	stream.linear.gather [hbm4b:s9+s2], $0x10000, $0x38;
	[tilespmem:$0x10100] =	vst v63  }
0x1c: {  	_ =	swait.ge [sflag:s8], $0x10000  }
0x1d: {  	[sflag:s8] =	ssyncset.done $0x0  }
0x1e: {  	[sflag:s8] =	ssyncadd.s32 $0xFFFF0000  }
0x1f: {  	v3 =	vld [tilespmem:$0x0];
	_ =	sdelay $0x4  }
0x20: {  	v4 =	vshll.u32 v3, $0x3  }
0x21: {  	v3 =	vand.u32 $0x7, v3;
	v4 =	vand.u32 $0xFFFFFFC0, v4  }
0x22: {  	v3 =	vor.u32 v3, v4  }
0x23: {  	v4 =	vperm.xlane v3, v0;
	_ =	sdelay $0x1  }
0x24: {  	v4 =	vadd.s32 v1, v4;
	_ =	sdelay $0x4  }
0x25: {  	[hbm4b:s3+s2] =	stream.indirect_vreg.scatter [tilespmem:s0], [sflag:$0x1], $0x80, v4, vm0, $0xb8;
	[tilespmem:$0x10100] =	vst v63  }
0x26: {  	s19 =	simm.s32 $0x900;
	v3 =	vperm.xlane v3, v2  }
0x27: {  	[hbm4b:s4+s2] =	stream.indirect_vreg.scatter [tilespmem:s19], [sflag:$0x1], $0x80, v4, vm0, $0xb8;
	[tilespmem:$0x10100] =	vst v63  }
0x28: {  	s20 =	simm.s32 $0x1100;
	v3 =	vadd.s32 v1, v3  }
0x29: {  	[hbm4b:s5+s2] =	stream.indirect_vreg.scatter [tilespmem:s20], [sflag:$0x1], $0x80, v4, vm0, $0xb8;
	[tilespmem:$0x10100] =	vst v63  }
0x2a: {  	_ = 	snop  }
0x2b: {  	[hbm4b:s6+s2] =	stream.indirect_vreg.scatter [tilespmem:s21], [sflag:$0x1], $0x80, v4, vm0, $0xb8;
	[tilespmem:$0x10100] =	vst v63  }
0x2c: {  	_ = 	snop  }
0x2d: {  	[hbm4b:s3+s2] =	stream.indirect_vreg.scatter [tilespmem:s22], [sflag:$0x1], $0x80, v3, vm0, $0xb8;
	[tilespmem:$0x10100] =	vst v63  }
0x2e: {  	_ = 	snop  }
0x2f: {  	[hbm4b:s4+s2] =	stream.indirect_vreg.scatter [tilespmem:s23], [sflag:$0x1], $0x80, v3, vm0, $0xb8;
	[tilespmem:$0x10100] =	vst v63  }
0x30: {  	_ = 	snop  }
0x31: {  	[hbm4b:s5+s2] =	stream.indirect_vreg.scatter [tilespmem:s24], [sflag:$0x1], $0x80, v3, vm0, $0xb8;
	[tilespmem:$0x10100] =	vst v63  }
0x32: {  	_ = 	snop  }
0x33: {  	[hbm4b:s6+s2] =	stream.indirect_vreg.scatter [tilespmem:s25], [sflag:$0x1], $0x80, v3, vm0, $0xb8;
	[tilespmem:$0x10100] =	vst v63  }
0x34: {  	v3 =	vld [tilespmem:$0x10];
	_ =	sdelay $0x4  }
0x35: {  	v57 =	vshll.u32 v3, $0x3  }
0x36: {  	v3 =	vand.u32 $0x7, v3;
	v4 =	vand.u32 $0xFFFFFFC0, v57  }
0x37: {  	v3 =	vor.u32 v3, v4  }
0x38: {  	v4 =	vperm.xlane v3, v0;
	_ =	sdelay $0x1  }
0x39: {  	v4 =	vadd.s32 v1, v4;
	_ =	sdelay $0x4  }
0x3a: {  	[hbm4b:s3+s2] =	stream.indirect_vreg.scatter [tilespmem:s26], [sflag:$0x1], $0x80, v4, vm0, $0xb8;
	[tilespmem:$0x10100] =	vst v63  }
0x3b: {  	v3 =	vperm.xlane v3, v2  }
0x3c: {  	[hbm4b:s4+s2] =	stream.indirect_vreg.scatter [tilespmem:s28], [sflag:$0x1], $0x80, v4, vm0, $0xb8;
	[tilespmem:$0x10100] =	vst v63  }
0x3d: {  	v3 =	vadd.s32 v1, v3  }
0x3e: {  	[hbm4b:s5+s2] =	stream.indirect_vreg.scatter [tilespmem:s29], [sflag:$0x1], $0x80, v4, vm0, $0xb8;
	[tilespmem:$0x10100] =	vst v63  }
0x3f: {  	_ = 	snop  }
0x40: {  	[hbm4b:s6+s2] =	stream.indirect_vreg.scatter [tilespmem:s30], [sflag:$0x1], $0x80, v4, vm0, $0xb8;
	[tilespmem:$0x10100] =	vst v63  }
0x41: {  	_ = 	snop  }
0x42: {  	[hbm4b:s3+s2] =	stream.indirect_vreg.scatter [tilespmem:s31], [sflag:$0x1], $0x80, v3, vm0, $0xb8;
	[tilespmem:$0x10100] =	vst v63  }
0x43: {  	s1 =	simm.s32 $0x6900  }
0x44: {  	[hbm4b:s4+s2] =	stream.indirect_vreg.scatter [tilespmem:s1], [sflag:$0x1], $0x80, v3, vm0, $0xb8;
	[tilespmem:$0x10100] =	vst v63  }
0x45: {  	s9 =	simm.s32 $0x7100  }
0x46: {  	[hbm4b:s5+s2] =	stream.indirect_vreg.scatter [tilespmem:s9], [sflag:$0x1], $0x80, v3, vm0, $0xb8;
	[tilespmem:$0x10100] =	vst v63  }
0x47: {  	_ = 	snop  }
0x48: {  	[hbm4b:s6+s2] =	stream.indirect_vreg.scatter [tilespmem:s10], [sflag:$0x1], $0x80, v3, vm0, $0xb8;
	[tilespmem:$0x10100] =	vst v63  }
0x49: {  	v3 =	vld [tilespmem:$0x20];
	_ =	sdelay $0x4  }
0x4a: {  	v58 =	vshll.u32 v3, $0x3  }
0x4b: {  	v3 =	vand.u32 $0x7, v3;
	v4 =	vand.u32 $0xFFFFFFC0, v58  }
0x4c: {  	v3 =	vor.u32 v3, v4  }
0x4d: {  	v4 =	vperm.xlane v3, v0;
	_ =	sdelay $0x1  }
0x4e: {  	v4 =	vadd.s32 v1, v4;
	_ =	sdelay $0x4  }
0x4f: {  	[hbm4b:s3+s2] =	stream.indirect_vreg.scatter [tilespmem:s11], [sflag:$0x1], $0x80, v4, vm0, $0xb8;
	[tilespmem:$0x10100] =	vst v63  }
0x50: {  	v3 =	vperm.xlane v3, v2  }
0x51: {  	[hbm4b:s4+s2] =	stream.indirect_vreg.scatter [tilespmem:s12], [sflag:$0x1], $0x80, v4, vm0, $0xb8;
	[tilespmem:$0x10100] =	vst v63  }
0x52: {  	v3 =	vadd.s32 v1, v3  }
0x53: {  	[hbm4b:s5+s2] =	stream.indirect_vreg.scatter [tilespmem:s13], [sflag:$0x1], $0x80, v4, vm0, $0xb8;
	[tilespmem:$0x10100] =	vst v63  }
0x54: {  	_ = 	snop  }
0x55: {  	[hbm4b:s6+s2] =	stream.indirect_vreg.scatter [tilespmem:s14], [sflag:$0x1], $0x80, v4, vm0, $0xb8;
	[tilespmem:$0x10100] =	vst v63  }
0x56: {  	_ = 	snop  }
0x57: {  	[hbm4b:s3+s2] =	stream.indirect_vreg.scatter [tilespmem:s15], [sflag:$0x1], $0x80, v3, vm0, $0xb8;
	[tilespmem:$0x10100] =	vst v63  }
0x58: {  	_ = 	snop  }
0x59: {  	[hbm4b:s4+s2] =	stream.indirect_vreg.scatter [tilespmem:s16], [sflag:$0x1], $0x80, v3, vm0, $0xb8;
	[tilespmem:$0x10100] =	vst v63  }
0x5a: {  	_ = 	snop  }
0x5b: {  	[hbm4b:s5+s2] =	stream.indirect_vreg.scatter [tilespmem:s17], [sflag:$0x1], $0x80, v3, vm0, $0xb8;
	[tilespmem:$0x10100] =	vst v63  }
0x5c: {  	s9 =	simm.s32 $0xB900  }
0x5d: {  	[hbm4b:s6+s2] =	stream.indirect_vreg.scatter [tilespmem:s9], [sflag:$0x1], $0x80, v3, vm0, $0xb8;
	[tilespmem:$0x10100] =	vst v63  }
0x5e: {  	v3 =	vld [tilespmem:$0x30];
	_ =	sdelay $0x4  }
0x5f: {  	v59 =	vshll.u32 v3, $0x3  }
0x60: {  	v3 =	vand.u32 $0x7, v3;
	v4 =	vand.u32 $0xFFFFFFC0, v59  }
0x61: {  	v3 =	vor.u32 v3, v4  }
0x62: {  	v4 =	vperm.xlane v3, v0;
	_ =	sdelay $0x1  }
0x63: {  	v4 =	vadd.s32 v1, v4;
	_ =	sdelay $0x3  }
0x64: {  	s1 =	simm.s32 $0xC100  }
0x65: {  	[hbm4b:s3+s2] =	stream.indirect_vreg.scatter [tilespmem:s1], [sflag:$0x1], $0x80, v4, vm0, $0xb8;
	[tilespmem:$0x10100] =	vst v63  }
0x66: {  	v3 =	vperm.xlane v3, v2;
	s1 =	simm.s32 $0xC900  }
0x67: {  	[hbm4b:s4+s2] =	stream.indirect_vreg.scatter [tilespmem:s1], [sflag:$0x1], $0x80, v4, vm0, $0xb8;
	[tilespmem:$0x10100] =	vst v63  }
0x68: {  	v3 =	vadd.s32 v1, v3;
	s1 =	simm.s32 $0xD100  }
0x69: {  	[hbm4b:s5+s2] =	stream.indirect_vreg.scatter [tilespmem:s1], [sflag:$0x1], $0x80, v4, vm0, $0xb8;
	[tilespmem:$0x10100] =	vst v63  }
0x6a: {  	s1 =	simm.s32 $0xD900  }
0x6b: {  	[hbm4b:s6+s2] =	stream.indirect_vreg.scatter [tilespmem:s1], [sflag:$0x1], $0x80, v4, vm0, $0xb8;
	[tilespmem:$0x10100] =	vst v63  }
0x6c: {  	s1 =	simm.s32 $0xE100  }
0x6d: {  	[hbm4b:s3+s2] =	stream.indirect_vreg.scatter [tilespmem:s1], [sflag:$0x1], $0x80, v3, vm0, $0xb8;
	[tilespmem:$0x10100] =	vst v63  }
0x6e: {  	s1 =	simm.s32 $0xE900  }
0x6f: {  	[hbm4b:s4+s2] =	stream.indirect_vreg.scatter [tilespmem:s1], [sflag:$0x1], $0x80, v3, vm0, $0xb8;
	[tilespmem:$0x10100] =	vst v63  }
0x70: {  	s1 =	simm.s32 $0xF100  }
0x71: {  	[hbm4b:s5+s2] =	stream.indirect_vreg.scatter [tilespmem:s1], [sflag:$0x1], $0x80, v3, vm0, $0xb8;
	[tilespmem:$0x10100] =	vst v63  }
0x72: {  	s1 =	simm.s32 $0xF900  }
0x73: {  	[hbm4b:s6+s2] =	stream.indirect_vreg.scatter [tilespmem:s1], [sflag:$0x1], $0x80, v3, vm0, $0xb8;
	[tilespmem:$0x10100] =	vst v63  }
0x74: {  	_ =	swait.ge [sflag:s18], $0x10000  }
0x75: {  	[sflag:s18] =	ssyncset.done $0x0  }
0x76: {  	[sflag:s18] =	ssyncadd.s32 $0xFFFF0000  }
0x77: {  	v3 =	vld [tilespmem:$0x80];
	_ =	sdelay $0x4  }
0x78: {  	v60 =	vshll.u32 v3, $0x3  }
0x79: {  	v3 =	vand.u32 $0x7, v3;
	v4 =	vand.u32 $0xFFFFFFC0, v60  }
0x7a: {  	v3 =	vor.u32 v3, v4  }
0x7b: {  	v4 =	vperm.xlane v3, v0;
	_ =	sdelay $0x1  }
0x7c: {  	v4 =	vadd.s32 v1, v4;
	_ =	sdelay $0x4  }
0x7d: {  	[hbm4b:s3+s2] =	stream.indirect_vreg.scatter [tilespmem:s0], [sflag:$0x1], $0x80, v4, vm0, $0xb8;
	[tilespmem:$0x10100] =	vst v63  }
0x7e: {  	v3 =	vperm.xlane v3, v2  }
0x7f: {  	[hbm4b:s4+s2] =	stream.indirect_vreg.scatter [tilespmem:s19], [sflag:$0x1], $0x80, v4, vm0, $0xb8;
	[tilespmem:$0x10100] =	vst v63  }
0x80: {  	v3 =	vadd.s32 v1, v3  }
0x81: {  	[hbm4b:s5+s2] =	stream.indirect_vreg.scatter [tilespmem:s20], [sflag:$0x1], $0x80, v4, vm0, $0xb8;
	[tilespmem:$0x10100] =	vst v63  }
0x82: {  	_ = 	snop  }
0x83: {  	[hbm4b:s6+s2] =	stream.indirect_vreg.scatter [tilespmem:s21], [sflag:$0x1], $0x80, v4, vm0, $0xb8;
	[tilespmem:$0x10100] =	vst v63  }
0x84: {  	_ = 	snop  }
0x85: {  	[hbm4b:s3+s2] =	stream.indirect_vreg.scatter [tilespmem:s22], [sflag:$0x1], $0x80, v3, vm0, $0xb8;
	[tilespmem:$0x10100] =	vst v63  }
0x86: {  	_ = 	snop  }
0x87: {  	[hbm4b:s4+s2] =	stream.indirect_vreg.scatter [tilespmem:s23], [sflag:$0x1], $0x80, v3, vm0, $0xb8;
	[tilespmem:$0x10100] =	vst v63  }
0x88: {  	_ = 	snop  }
0x89: {  	[hbm4b:s5+s2] =	stream.indirect_vreg.scatter [tilespmem:s24], [sflag:$0x1], $0x80, v3, vm0, $0xb8;
	[tilespmem:$0x10100] =	vst v63  }
0x8a: {  	_ = 	snop  }
0x8b: {  	[hbm4b:s6+s2] =	stream.indirect_vreg.scatter [tilespmem:s25], [sflag:$0x1], $0x80, v3, vm0, $0xb8;
	[tilespmem:$0x10100] =	vst v63  }
0x8c: {  	v3 =	vld [tilespmem:$0x90];
	_ =	sdelay $0x4  }
0x8d: {  	v61 =	vshll.u32 v3, $0x3  }
0x8e: {  	v3 =	vand.u32 $0x7, v3;
	v4 =	vand.u32 $0xFFFFFFC0, v61  }
0x8f: {  	v3 =	vor.u32 v3, v4  }
0x90: {  	v4 =	vperm.xlane v3, v0;
	_ =	sdelay $0x1  }
0x91: {  	v4 =	vadd.s32 v1, v4;
	_ =	sdelay $0x4  }
0x92: {  	[hbm4b:s3+s2] =	stream.indirect_vreg.scatter [tilespmem:s26], [sflag:$0x1], $0x80, v4, vm0, $0xb8;
	[tilespmem:$0x10100] =	vst v63  }
0x93: {  	v3 =	vperm.xlane v3, v2  }
0x94: {  	[hbm4b:s4+s2] =	stream.indirect_vreg.scatter [tilespmem:s28], [sflag:$0x1], $0x80, v4, vm0, $0xb8;
	[tilespmem:$0x10100] =	vst v63  }
0x95: {  	v3 =	vadd.s32 v1, v3  }
0x96: {  	[hbm4b:s5+s2] =	stream.indirect_vreg.scatter [tilespmem:s29], [sflag:$0x1], $0x80, v4, vm0, $0xb8;
	[tilespmem:$0x10100] =	vst v63  }
0x97: {  	_ = 	snop  }
0x98: {  	[hbm4b:s6+s2] =	stream.indirect_vreg.scatter [tilespmem:s30], [sflag:$0x1], $0x80, v4, vm0, $0xb8;
	[tilespmem:$0x10100] =	vst v63  }
0x99: {  	_ = 	snop  }
0x9a: {  	[hbm4b:s3+s2] =	stream.indirect_vreg.scatter [tilespmem:s31], [sflag:$0x1], $0x80, v3, vm0, $0xb8;
	[tilespmem:$0x10100] =	vst v63  }
0x9b: {  	s20 =	simm.s32 $0x6900  }
0x9c: {  	[hbm4b:s4+s2] =	stream.indirect_vreg.scatter [tilespmem:s20], [sflag:$0x1], $0x80, v3, vm0, $0xb8;
	[tilespmem:$0x10100] =	vst v63  }
0x9d: {  	s19 =	simm.s32 $0x7100  }
0x9e: {  	[hbm4b:s5+s2] =	stream.indirect_vreg.scatter [tilespmem:s19], [sflag:$0x1], $0x80, v3, vm0, $0xb8;
	[tilespmem:$0x10100] =	vst v63  }
0x9f: {  	_ = 	snop  }
0xa0: {  	[hbm4b:s6+s2] =	stream.indirect_vreg.scatter [tilespmem:s10], [sflag:$0x1], $0x80, v3, vm0, $0xb8;
	[tilespmem:$0x10100] =	vst v63  }
0xa1: {  	v3 =	vld [tilespmem:$0xA0];
	_ =	sdelay $0x4  }
0xa2: {  	v62 =	vshll.u32 v3, $0x3  }
0xa3: {  	v3 =	vand.u32 $0x7, v3;
	v4 =	vand.u32 $0xFFFFFFC0, v62  }
0xa4: {  	v3 =	vor.u32 v3, v4  }
0xa5: {  	v4 =	vperm.xlane v3, v0;
	_ =	sdelay $0x1  }
0xa6: {  	v4 =	vadd.s32 v1, v4;
	_ =	sdelay $0x4  }
0xa7: {  	[hbm4b:s3+s2] =	stream.indirect_vreg.scatter [tilespmem:s11], [sflag:$0x1], $0x80, v4, vm0, $0xb8;
	[tilespmem:$0x10100] =	vst v63  }
0xa8: {  	v3 =	vperm.xlane v3, v2  }
0xa9: {  	[hbm4b:s4+s2] =	stream.indirect_vreg.scatter [tilespmem:s12], [sflag:$0x1], $0x80, v4, vm0, $0xb8;
	[tilespmem:$0x10100] =	vst v63  }
0xaa: {  	v3 =	vadd.s32 v1, v3  }
0xab: {  	[hbm4b:s5+s2] =	stream.indirect_vreg.scatter [tilespmem:s13], [sflag:$0x1], $0x80, v4, vm0, $0xb8;
	[tilespmem:$0x10100] =	vst v63  }
0xac: {  	_ = 	snop  }
0xad: {  	[hbm4b:s6+s2] =	stream.indirect_vreg.scatter [tilespmem:s14], [sflag:$0x1], $0x80, v4, vm0, $0xb8;
	[tilespmem:$0x10100] =	vst v63  }
0xae: {  	_ = 	snop  }
0xaf: {  	[hbm4b:s3+s2] =	stream.indirect_vreg.scatter [tilespmem:s15], [sflag:$0x1], $0x80, v3, vm0, $0xb8;
	[tilespmem:$0x10100] =	vst v63  }
0xb0: {  	_ = 	snop  }
0xb1: {  	[hbm4b:s4+s2] =	stream.indirect_vreg.scatter [tilespmem:s16], [sflag:$0x1], $0x80, v3, vm0, $0xb8;
	[tilespmem:$0x10100] =	vst v63  }
0xb2: {  	_ = 	snop  }
0xb3: {  	[hbm4b:s5+s2] =	stream.indirect_vreg.scatter [tilespmem:s17], [sflag:$0x1], $0x80, v3, vm0, $0xb8;
	[tilespmem:$0x10100] =	vst v63  }
0xb4: {  	_ = 	snop  }
0xb5: {  	[hbm4b:s6+s2] =	stream.indirect_vreg.scatter [tilespmem:s9], [sflag:$0x1], $0x80, v3, vm0, $0xb8;
	[tilespmem:$0x10100] =	vst v63  }
0xb6: {  	v3 =	vld [tilespmem:$0xB0];
	_ =	sdelay $0x4  }
0xb7: {  	v63 =	vshll.u32 v3, $0x3  }
0xb8: {  	v3 =	vand.u32 $0x7, v3;
	v4 =	vand.u32 $0xFFFFFFC0, v63  }
0xb9: {  	v3 =	vor.u32 v3, v4  }
0xba: {  	v4 =	vperm.xlane v3, v0;
	_ =	sdelay $0x1  }
0xbb: {  	v4 =	vadd.s32 v1, v4;
	_ =	sdelay $0x3  }
0xbc: {  	s20 =	simm.s32 $0xC100  }
0xbd: {  	[hbm4b:s3+s2] =	stream.indirect_vreg.scatter [tilespmem:s20], [sflag:$0x1], $0x80, v4, vm0, $0xb8;
	[tilespmem:$0x10100] =	vst v63  }
0xbe: {  	s9 =	simm.s32 $0xC900;
	v3 =	vperm.xlane v3, v2  }
0xbf: {  	[hbm4b:s4+s2] =	stream.indirect_vreg.scatter [tilespmem:s9], [sflag:$0x1], $0x80, v4, vm0, $0xb8;
	[tilespmem:$0x10100] =	vst v63  }
0xc0: {  	s19 =	simm.s32 $0xD100;
	v3 =	vadd.s32 v1, v3  }
0xc1: {  	[hbm4b:s5+s2] =	stream.indirect_vreg.scatter [tilespmem:s19], [sflag:$0x1], $0x80, v4, vm0, $0xb8;
	[tilespmem:$0x10100] =	vst v63  }
0xc2: {  	s20 =	simm.s32 $0xD900  }
0xc3: {  	[hbm4b:s6+s2] =	stream.indirect_vreg.scatter [tilespmem:s20], [sflag:$0x1], $0x80, v4, vm0, $0xb8;
	[tilespmem:$0x10100] =	vst v63  }
0xc4: {  	s9 =	simm.s32 $0xE100  }
0xc5: {  	[hbm4b:s3+s2] =	stream.indirect_vreg.scatter [tilespmem:s9], [sflag:$0x1], $0x80, v3, vm0, $0xb8;
	[tilespmem:$0x10100] =	vst v63  }
0xc6: {  	s19 =	simm.s32 $0xE900  }
0xc7: {  	[hbm4b:s4+s2] =	stream.indirect_vreg.scatter [tilespmem:s19], [sflag:$0x1], $0x80, v3, vm0, $0xb8;
	[tilespmem:$0x10100] =	vst v63  }
0xc8: {  	p0 =	sne.s32 s7, $0x1;
	s20 =	simm.s32 $0xF100  }
0xc9: {  	[hbm4b:s5+s2] =	stream.indirect_vreg.scatter [tilespmem:s20], [sflag:$0x1], $0x80, v3, vm0, $0xb8;
	[tilespmem:$0x10100] =	vst v63  }
.Ltmp0:
0xca: {  	_ = 	snop;
	(pc) =	sbr.rel @p0 .LBB2_1-.Ltmp0, $4  }
0xcb: {  	[hbm4b:s6+s2] =	stream.indirect_vreg.scatter [tilespmem:s1], [sflag:$0x1], $0x80, v3, vm0, $0xb8;
	[tilespmem:$0x10100] =	vst v63  }
0xcc: {  	_ =	swait.ge [sflag:s18], $0x10000  }
0xcd: {  	[sflag:s18] =	ssyncset.done $0x0  }
0xce: {  	s7 =	sadd.s32 $0xFFFFFFFF, s7;
	[sflag:s18] =	ssyncadd.s32 $0xFFFF0000  }
0xcf: {  	_ =	sfence.sel $0x180000  }
0xd0: {  	[bflag:$0x0] =	sbarrier.arrive $0xFFFF  }
0xd1: {  	_ =	strace $0x90000047  }
0xd2: {  	s0 =	stileid.u32;
	[bflag:$0x2] =	sbarrier.arrive $0xFFFF  }
0xd3: {  	p0 =	sne.s32 s0, $0x0;
	s0 =	rddreg [dreg:$0x2]  }
0xd4: {  	s0 =	sadd.s32 @!p0 $0x100000, s0  }
0xd5: {  	[sflag:s0] =	ssyncadd.tile.s32 @!p0 $0x1;
	_ =	shalt  }
.Lfunc_end2:
_tile_overlayer_lowered:
.L_overlay_start_2:
0xd6: {  	(tag) =	ssettag $0x2  }
0xd7: {  	s0 =	rddreg [dreg:$0x0];
	s2 =	stileid.u32  }
0xd8: {  	s1 =	rddreg [dreg:$0x1];
	p0 =	sne.s32 s2, $0x0  }
0xd9: {  	s3 =	rddreg [dreg:$0x2];
	[bflag:$0x3] =	sbarrier.arrive $0xFFFF;
	s2 =	simm.s32 @!p0 $0x1C02  }
0xda: {  	[timem:s3], [sflag:s2] =	dma.local @!p0 [hbm:s0], s1  }
0xdb: {  	s0 =	simm.s32 @!p0 $0x2  }
0xdc: {  	_ =	swait.ge @!p0 [sflag:s0], s1  }
0xdd: {  	s1 =	ssub.s32 @!p0 $0x0, s1;
	[sflag:s0] =	ssyncset.done @!p0 $0x0  }
0xde: {  	[sflag:s0] =	ssyncadd.s32 @!p0 s1  }
0xdf: {  	[bflag:$0x3] =	sbarrier.arrive $0xFFFF  }
0xe0: {  	_ =	shalt  }

// kernel: sparse-core-data-format-call.cloned.1.call-start
scs
called_computation_lowered:
.L_overlay_start_0:
0x0: {  	s1 =	sld [smem:$0x3FD9]  }
0x1: {  	s2 =	sld [smem:$0x3FFE];
	_ =	sdelay $0x1  }
0x2: {  	s3 =	srdreg.scid  }
0x3: {  	s0 =	sand.u32 $0x1, s3  }
0x4: {  	s17 =	sshll.u32 s0, $0xA;
	s1 =	sadd.s32 s2, s1  }
0x5: {  	s1 =	sadd.s32 s1, s17  }
0x6: {  	[smem:$0x3FBE] =	sst s1  }
0x7: {  	_ = 	snop  }
0x8: {  	(tm) =	ssettm $0x1  }
0x9: {  	s18 =	sld [smem:$0x3FFB];
	_ =	sdelay $0x3  }
0xa: {  	_ =	strace s18  }
0xb: {  	s1 =	sld [smem:$0x3FFC];
	_ =	sdelay $0x3  }
0xc: {  	_ =	strace s1  }
0xd: {  	s1 =	sld [smem:$0x3FFD];
	_ =	sdelay $0x3  }
0xe: {  	_ =	strace s1  }
0xf: {  	_ =	strace $0x8FFFFFFF  }
0x10: {  	s19 =	sld [smem:$0x3FDB];
	_ =	sdelay $0x1  }
0x11: {  	s20 =	simm.s32 $_scs_section_size  }
0x12: {  	s4 =	simm.s32 $_size__tile_overlayer_lowered;
	s5 =	simm.s32 $_tile_overlayer_lowered  }
0x13: {  	s23 =	simm.s32 $0x1BFF;
	s22 =	sshll.u32 s5, $0x1;
	s1 =	sadd.s32 s20, s19  }
0x14: {  	s6 =	simm.s32 $0x0;
	s21 =	sshll.u32 s4, $0x1;
	s4 =	sadd.s32 s22, s1  }
0x15: {  	[timem:s6], [sflag:s23] =	dma.local [hbm:s4], s21  }
0x16: {  	_ =	swait.ge [sflag:s23], s21  }
0x17: {  	s2 =	ssub.s32 $0x0, s21;
	[sflag:s23] =	ssyncset.done $0x0  }
0x18: {  	[sflag:s23] =	ssyncadd.s32 s2;
	_ =	sdelay $0x1  }
0x19: {  	s24 =	simm.s32 $0x1B8B  }
0x1a: {  	_ =	swait.ge [sflag:s24], $0x1  }
0x1b: {  	[sflag:s24] =	ssyncset.done $0x0  }
0x1c: {  	s26 =	simm.s32 $0x1B8E;
	s25 =	sld [smem:$0x3FFE];
	[sflag:s24] =	ssyncadd.s32 $0xFFFFFFFF  }
0x1d: {  	s27 =	simm.s32 $execute0_lowered;
	[smem:$0x3FD2] =	sst s26  }
0x1e: {  	s4 =	sshll.u32 s27, $0x1;
	_ =	strace $0x80000049;
	[dreg:$0x1] =	wrdreg $0xFFFFFFFF  }
0x1f: {  	s28 =	simm.s32 $_size_execute0_lowered;
	s1 =	sadd.s32 s1, s4;
	[dreg:$0x0] =	wrdreg $0x0  }
0x20: {  	s4 =	sshll.u32 s28, $0x1;
	[dreg:$0x2] =	wrdreg s1  }
0x21: {  	[dreg:$0x3] =	wrdreg s4  }
0x22: {  	[dreg:$0x4] =	wrdreg $0xC0  }
0x23: {  	_ =	task [dreg:s6], $0x5FFFF  }
0x24: {  	[dreg:$0x1] =	wrdreg $0xFFFFFFFF  }
0x25: {  	[dreg:$0x0] =	wrdreg $0x60  }
0x26: {  	[dreg:$0x2] =	wrdreg s25  }
0x27: {  	[dreg:$0x3] =	wrdreg $0x9  }
0x28: {  	_ =	task.clear_ibuf [dreg:s6], $0x4FFFF;
	_ =	strace $0x90000049  }
0x29: {  	s29 =	simm.s32 $0x9;
	_ =	strace $0x8000004B  }
0x2a: {  	_ =	swait.ge [sflag:s29], $0x1  }
0x2b: {  	[sflag:s29] =	ssyncadd.s32 $0xFFFFFFFF  }
0x2c: {  	_ =	strace $0x9000004B  }
0x2d: {  	_ =	sfence  }
0x2e: {  	s30 =	sld [smem:$0x0];
	_ =	sdelay $0x2  }
0x2f: {  	s31 =	sshll.u32 s3, $0xD;
	s3 =	sshrl.u32 s3, $0x2  }
0x30: {  	s2 =	sand.u32 $0x4000, s31;
	s1 =	sadd.s32 s3, s30  }
0x31: {  	s0 =	sor.u32 s2, s0;
	s1 =	sshll.u32 s1, $0x11  }
0x32: {  	s0 =	sor.u32 s1, s0  }
0x33: {  	s0 =	sadd.s32 $0x8F2B, s0  }
0x34: {  	[sflag:s0] =	ssyncadd.remote.s32 $0x1  }
0x35: {  	_ =	sfence.sel $0xFFFF  }
0x36: {  	[dreg:$0x0] =	wrdreg $0xFFFFFFFF;
	(pc) =	sbr.abs _section_cstart, $3  }
0x37: {  	[dreg:$0x1] =	wrdreg $0xFFFFFFFF  }
0x38: {  	_ =	task.clear_ibuf [dreg:s6], $0x2FFFF;
	_ =	strace $0x9FFFFFFF  }
0x39: {  	(tm) =	ssettm $0x7FFFFFFF  }
tec
execute0_lowered:
.L_overlay_start_1:
0x0: {  	(tag) =	ssettag $0x1  }
0x1: {  	s7 =	rddreg [dreg:$0x0]  }
0x2: {  	s1 =	stileid.u32;
	s3 =	srdreg.scid  }
0x3: {  	s0 =	rddreg [dreg:$0x1];
	_ =	strace $0x8000004A;
	s8 =	simm.s32 $0x1  }
0x4: {  	s31 =	simm.s32 $0x2;
	s14 =	simm.s32 $0x0;
	s13 =	simm.s32 $0x0  }
0x5: {  	s12 =	simm.s32 $0x0;
	s2 =	sshll.u32 s1, $0x7;
	s3 =	sshll.u32 s3, $0x7  }
0x6: {  	s3 =	sand.u32 $0x80, s3;
	s4 =	ssub.s32 $0x800, s2;
	s11 =	smov.u32 s2  }
0x7: {  	s5 =	sshrl.u32 s4, $0xB;
	s4 =	sand.u32 $0x780, s4;
	s6 =	ssub.s32 $0x1000, s3  }
0x8: {  	p0 =	sne.s32 s4, $0x0;
	s30 =	sshrl.u32 s6, $0x7;
	s6 =	sshrl.u32 s6, $0x8  }
.Ltmp0:
0x9: {  	s8 =	simm.s32 @!p0 $0x0;
	s9 =	sand.u32 $0x1, s30;
	(pc) =	sbr.rel .LBB1_1-.Ltmp0, $4  }
0xa: {  	s4 =	simm.s32 $0x1;
	s5 =	sadd.s32 s8, s5;
	s6 =	sadd.s32 s6, s9  }
0xb: {  	s10 =	smov.u32 s3;
	[sflag:s4] =	ssyncpa.u1 $0x0;
	s5 =	smul.u32 s5, s6  }
0xc: {  	p0 =	por $0x0, $0x0;
	[sflag:s31] =	ssyncpa.u1 $0x0;
	s9 =	simm.s32 $0x4000  }
0xd: {  	s6 =	sadd.s32 $0x1A2E00, s7;
	s7 =	sadd.s32 $0xA2E00, s7;
	s8 =	sadd.s32 $0x1, s5  }
.LBB1_4:
0xe: {  	v5 =	vld [tilespmem:s17+$0xFFFFFFD0]  }
0xf: {  	[tilespmem:s18+$0x2040 ss:$0x81] =	vst.msk $0xffff, v1;
	v58 =	vld [tilespmem:s17+$0xFFFFFFE0]  }
0x10: {  	[tilespmem:s18+$0x2850 ss:$0x81] =	vst.msk $0xffff, v2;
	v59 =	vld [tilespmem:s17+$0xFFFFFFF0]  }
0x11: {  	s19 =	sshra.s32 s19, $0x2;
	[tilespmem:s18+$0x3060 ss:$0x81] =	vst.msk $0xffff, v3;
	v60 =	vld [tilespmem:s17+$0x0]  }
0x12: {  	[tilespmem:s18+$0x0 ss:$0x81] =	vst.msk $0xffff, v0;
	v61 =	vld [tilespmem:s17+$0x10];
	s16 =	sadd.s32 s19, s16  }
0x13: {  	s26 =	sshll.u32 s14, $0xB;
	v62 =	vld [tilespmem:s17+$0x20];
	[tilespmem:s16+$0x3870 ss:$0x81] =	vst.msk $0xffff, v4  }
0x14: {  	s27 =	sand.u32 $0x78, s13;
	s20 =	sshll.u32 s13, $0x3;
	v63 =	vld [tilespmem:s17+$0xFFFFFFC0];
	s29 =	sshll.u32 s14, $0x7;
	[tilespmem:s16+$0x810 ss:$0x81] =	vst.msk $0xffff, v5  }
0x15: {  	s18 =	sand.u32 $0x7FC000, s26;
	s28 =	sand.u32 $0x7FFC00, s20;
	s20 =	sand.u32 $0x400, s20;
	[tilespmem:s16+$0x1020 ss:$0x81] =	vst.msk $0xffff, v58  }
0x16: {  	s14 =	sand.u32 $0x380, s29;
	s17 =	sadd.s32 s28, s18;
	s30 =	sor.u32 s27, s20;
	[tilespmem:s16+$0x1830 ss:$0x81] =	vst.msk $0xffff, v59  }
0x17: {  	s17 =	sand.u32 $0x7FF800, s17;
	s14 =	sor.u32 s14, s30;
	[tilespmem:s16+$0x2040 ss:$0x81] =	vst.msk $0xffff, v60  }
0x18: {  	s31 =	sand.u32 $0x7, s13;
	s14 =	sor.u32 s17, s14;
	[tilespmem:s16+$0x2850 ss:$0x81] =	vst.msk $0xffff, v61  }
0x19: {  	s13 =	sshll.u32 s31, $0x12;
	[tilespmem:s16+$0x3060 ss:$0x81] =	vst.msk $0xffff, v62;
	s14 =	sshrl.u32 s14, $0x3  }
0x1a: {  	s13 =	sor.u32 $0x400, s13;
	[tilespmem:s16+$0x0 ss:$0x81] =	vst.msk $0xffff, v63;
	s14 =	sadd.s32 s7, s14  }
0x1b: {  	[hbm4b:s14+s13] =	stream.strided.scatter [tilespmem:s15], [sflag:$0x2], $0x4000, s9, s13, $0x20;
	[tilespmem:$0x10100] =	vst v63  }
.LBB1_5:
0x1c: {  	s15 =	sadd.s32 $0x100, s10  }
0x1d: {  	s13 =	sadd.s32 $0x800, s11;
	s17 =	smov.u32 s11;
	p2 =	sgt.s32 s15, $0xFFF  }
0x1e: {  	s17 =	smov.u32 @p2 s13  }
0x1f: {  	s15 =	smov.u32 @p2 s3;
	p2 =	sgt.s32 s17, $0x7FF  }
0x20: {  	s17 =	smov.u32 @p2 s2;
	p2 =	sne.s32 s12, s8  }
.Ltmp1:
0x21: {  	p1 =	slt.u32 s12, $0x2;
	(pc) =	sbr.rel @!p2 .LBB1_6-.Ltmp1, $4  }
0x22: {  	s16 =	simm.s32 @!p1 $0x2  }
0x23: {  	s14 =	smov.u32 s10;
	p0 =	por !p0, !p0;
	_ =	swait.ge @!p1 [sflag:s16], $0x4000  }
0x24: {  	s13 =	smov.u32 s11;
	[sflag:s16] =	ssyncset.done @!p1 $0x0;
	s10 =	smov.u32 s15  }
0x25: {  	s12 =	sadd.s32 $0x1, s12;
	[sflag:s16] =	ssyncadd.s32 @!p1 $0xFFFFC000;
	s11 =	smov.u32 s17  }
.LBB1_1:
0x26: {  	p1 =	sge.u32 s12, s5;
	s31 =	sadd.s32 $0xFFFFFFFF, s12  }
0x27: {  	s15 =	sand.u32 @!p1 $0x78, s10;
	s16 =	sshll.u32 @!p1 s11, $0xC;
	s17 =	sshll.u32 @!p1 s11, $0x7  }
0x28: {  	s18 =	sshll.u32 @!p1 s10, $0x3;
	s16 =	sand.u32 @!p1 $0x7F8000, s16;
	s17 =	sand.u32 @!p1 $0x380, s17  }
0x29: {  	s16 =	sadd.s32 @!p1 s16, s18;
	s18 =	sand.u32 @!p1 $0xC00, s18;
	s15 =	sor.u32 @!p1 s17, s15  }
0x2a: {  	s17 =	sxor.u32 @!p1 $0xFFFFFFFF, s12;
	s16 =	sand.u32 @!p1 $0x7FF000, s16;
	s15 =	sor.u32 @!p1 s18, s15  }
0x2b: {  	s17 =	sshll.u32 @!p1 s17, $0xE;
	s15 =	sor.u32 @!p1 s16, s15;
	s16 =	sand.u32 @!p1 $0x7, s10  }
0x2c: {  	s18 =	simm.s32 @!p1 $0x8000;
	s15 =	sshrl.u32 @!p1 s15, $0x3;
	s16 =	sshll.u32 @!p1 s16, $0x12  }
0x2d: {  	s17 =	sand.u32 @!p1 $0x4000, s17;
	s15 =	sadd.s32 @!p1 s6, s15;
	s16 =	sor.u32 @!p1 $0x400, s16  }
0x2e: {  	[tilespmem:s17], [sflag:$0x1] =	stream.strided.gather @!p1 [hbm4b:s15+s16], $0x4000, s18, s16, $0x38;
	[tilespmem:$0x10100] =	vst v63  }
0x2f: {  	p1 =	sge.u32 s31, s5  }
.Ltmp2:
0x30: {  	_ = 	snop;
	(pc) =	sbr.rel @p1 .LBB1_5-.Ltmp2, $1  }
0x31: {  	_ =	sdelay $0x3  }
0x32: {  	s15 =	simm.s32 $0x1  }
0x33: {  	_ =	swait.ge [sflag:s4], $0x4000;
	s15 =	simm.s32 @!p0 $0x0  }
0x34: {  	[sflag:s4] =	ssyncset.done $0x0;
	s16 =	sshll.u32 s15, $0xE  }
0x35: {  	[sflag:s4] =	ssyncadd.s32 $0xFFFFC000;
	s17 =	sor.u32 $0x40, s16  }
0x36: {  	s15 =	smul.u32 $0x10200, s15;
	v0 =	vld [tilespmem:s17+$0x30]  }
0x37: {  	v3 =	vld [tilespmem:s17+$0xFFFFFFD0]  }
0x38: {  	s15 =	sshrl.u32 s15, $0x2;
	v4 =	vld [tilespmem:s17+$0xFFFFFFE0]  }
0x39: {  	v5 =	vld [tilespmem:s17+$0xFFFFFFF0];
	s16 =	sor.u32 $0x8000, s15  }
0x3a: {  	s31 =	sand.u32 $0x1, s12;
	v1 =	vld [tilespmem:s17+$0x0];
	s18 =	sadd.s32 $0x0, s16  }
0x3b: {  	v2 =	vld [tilespmem:s17+$0x10];
	s15 =	smul.u32 $0x10200, s31;
	[tilespmem:s18+$0x3870 ss:$0x81] =	vst.msk $0xffff, v0  }
0x3c: {  	[tilespmem:s18+$0x810 ss:$0x81] =	vst.msk $0xffff, v3;
	v3 =	vld [tilespmem:s17+$0x20]  }
0x3d: {  	s15 =	sshrl.u32 s15, $0x2;
	v0 =	vld [tilespmem:s17+$0xFFFFFFC0];
	[tilespmem:s18+$0x1020 ss:$0x81] =	vst.msk $0xffff, v4;
	s17 =	sadd.s32 $0x80, s17  }
0x3e: {  	s19 =	simm.s32 $0x4;
	s20 =	simm.s32 $0x8;
	s15 =	sor.u32 $0x8000, s15;
	[tilespmem:s18+$0x1830 ss:$0x81] =	vst.msk $0xffff, v5;
	v4 =	vld [tilespmem:s17+$0x30]  }
.LBB1_3:
0x3f: {  	p1 =	sne.s32 s20, $0x1FC;
	v5 =	vld [tilespmem:s17+$0xFFFFFFD0];
	[tilespmem:s18+$0x2040 ss:$0x81] =	vst.msk $0xffff, v1  }
0x40: {  	v6 =	vld [tilespmem:s17+$0xFFFFFFE0];
	[tilespmem:s18+$0x2850 ss:$0x81] =	vst.msk $0xffff, v2  }
0x41: {  	s21 =	sshra.s32 s19, $0x2;
	s19 =	smov.u32 s20;
	v7 =	vld [tilespmem:s17+$0xFFFFFFF0];
	[tilespmem:s18+$0x3060 ss:$0x81] =	vst.msk $0xffff, v3  }
.Ltmp3:
0x42: {  	v1 =	vld [tilespmem:s17+$0x0];
	[tilespmem:s18+$0x0 ss:$0x81] =	vst.msk $0xffff, v0;
	s18 =	sadd.s32 s21, s16;
	(pc) =	sbr.rel @p1 .LBB1_3-.Ltmp3, $4  }
0x43: {  	v2 =	vld [tilespmem:s17+$0x10];
	[tilespmem:s18+$0x3870 ss:$0x81] =	vst.msk $0xffff, v4  }
0x44: {  	[tilespmem:s18+$0x810 ss:$0x81] =	vst.msk $0xffff, v5;
	v3 =	vld [tilespmem:s17+$0x20]  }
0x45: {  	v0 =	vld [tilespmem:s17+$0xFFFFFFC0];
	[tilespmem:s18+$0x1020 ss:$0x81] =	vst.msk $0xffff, v6;
	s17 =	sadd.s32 $0x80, s17  }
0x46: {  	s20 =	sadd.s32 $0x4, s20;
	v4 =	vld [tilespmem:s17+$0x30];
	[tilespmem:s18+$0x1830 ss:$0x81] =	vst.msk $0xffff, v7  }
.Ltmp4:
0x47: {  	_ = 	snop;
	(pc) =	sbr.rel .LBB1_4-.Ltmp4, $1  }
0x48: {  	_ =	sdelay $0x3  }
.LBB1_6:
0x49: {  	_ =	sfence.sel $0x180000  }
0x4a: {  	s2 =	simm.s32 $0x1;
	[bflag:$0x0] =	sbarrier.arrive $0xFFFF  }
0x4b: {  	s31 =	simm.s32 $0x2;
	[sflag:s2] =	ssyncpa.u1 $0x1  }
0x4c: {  	[sflag:s31] =	ssyncpa.u1 $0x1  }
0x4d: {  	p0 =	sne.s32 s1, $0x0;
	_ =	strace $0x9000004A  }
0x4e: {  	s0 =	sadd.s32 @!p0 $0x100000, s0;
	[bflag:$0x2] =	sbarrier.arrive $0xFFFF  }
0x4f: {  	[sflag:s0] =	ssyncadd.tile.s32 @!p0 $0x1;
	_ =	shalt  }
.Lfunc_end1:
_tile_overlayer_lowered:
.L_overlay_start_2:
0x50: {  	(tag) =	ssettag $0x2  }
0x51: {  	s0 =	rddreg [dreg:$0x0];
	s2 =	stileid.u32  }
0x52: {  	s1 =	rddreg [dreg:$0x1];
	p0 =	sne.s32 s2, $0x0  }
0x53: {  	s3 =	rddreg [dreg:$0x2];
	[bflag:$0x3] =	sbarrier.arrive $0xFFFF;
	s2 =	simm.s32 @!p0 $0x1C01  }
0x54: {  	[timem:s3], [sflag:s2] =	dma.local @!p0 [hbm:s0], s1  }
0x55: {  	s0 =	simm.s32 @!p0 $0x1  }
0x56: {  	_ =	swait.ge @!p0 [sflag:s0], s1  }
0x57: {  	s1 =	ssub.s32 @!p0 $0x0, s1;
	[sflag:s0] =	ssyncset.done @!p0 $0x0  }
0x58: {  	[sflag:s0] =	ssyncadd.s32 @!p0 s1  }
0x59: {  	[bflag:$0x3] =	sbarrier.arrive $0xFFFF  }
0x5a: {  	_ =	shalt  }

</sc_bundles>
